<compile_context>
chip_gen: v7x
topology: tpu7x:2x2x1
jax: 0.10.2.dev20260603
libtpu: 0.0.44.dev20260713+nightly
codegen_flags: <defaults>
</compile_context>

<pallas_src>
import jax
import jax.numpy as jnp
from jax import lax
from jax.experimental import pallas as pl
from jax.experimental.pallas import tpu as pltpu
from jax.experimental.pallas import tpu_sc as plsc

B, L, D = 4096, 200, 64
N_ROWS = B * L

_info = plsc.get_sparse_core_info()
NC, NS = _info.num_cores, _info.num_subcores
NW = NC * NS
ROWS_PER_W = N_ROWS // NW
SEQ_PER_CHUNK = 2
CHUNK = SEQ_PER_CHUNK * L
N_CHUNKS = ROWS_PER_W // CHUNK
LANES = 16


def _body(idx_hbm, tok_hbm, pos_hbm, out_hbm, pos_v, idx_v, rows0, rows1,
          gsem0, gsem1, osem):
    wid = lax.axis_index("s") * NC + lax.axis_index("c")
    base_w = wid * ROWS_PER_W
    pltpu.sync_copy(pos_hbm, pos_v)
    pltpu.sync_copy(idx_hbm.at[pl.ds(base_w, ROWS_PER_W)], idx_v)

    rows = (rows0, rows1)
    gsems = (gsem0, gsem1)

    def start_gather(c, b):
        pltpu.async_copy(
            tok_hbm.at[idx_v.at[pl.ds(c * CHUNK, CHUNK)]], rows[b], gsems[b])

    def wait_gather(c, b):
        pltpu.make_async_copy(
            tok_hbm.at[idx_v.at[pl.ds(c * CHUNK, CHUNK)]], rows[b],
            gsems[b]).wait()

    def start_out(c, b):
        pltpu.async_copy(
            rows[b], out_hbm.at[pl.ds(base_w + c * CHUNK, CHUNK)], osem)

    def wait_out(c, b):
        pltpu.make_async_copy(
            rows[b], out_hbm.at[pl.ds(base_w + c * CHUNK, CHUNK)],
            osem).wait()

    def add_pos(b):
        buf = rows[b]

        def add_body(r, carry):
            for s in range(SEQ_PER_CHUNK):
                for k in range(D // LANES):
                    sl = pl.ds(k * LANES, LANES)
                    buf[s * L + r, sl] = buf[s * L + r, sl] + pos_v[r, sl]
            return carry

        lax.fori_loop(0, L, add_body, None)

    start_gather(0, 0)
    start_gather(1, 1)
    wait_gather(0, 0)
    add_pos(0)
    start_out(0, 0)

    def group(g, carry):
        c1 = 2 * g + 1
        wait_out(c1 - 1, 0)
        start_gather(c1 + 1, 0)
        wait_gather(c1, 1)
        add_pos(1)
        start_out(c1, 1)

        c2 = 2 * g + 2
        wait_out(c2 - 1, 1)
        start_gather(c2 + 1, 1)
        wait_gather(c2, 0)
        add_pos(0)
        start_out(c2, 0)
        return carry

    lax.fori_loop(0, N_CHUNKS // 2 - 1, group, None)

    last = N_CHUNKS - 1
    wait_gather(last, 1)
    add_pos(1)
    start_out(last, 1)
    wait_out(last - 1, 0)
    wait_out(last, 1)


def kernel(inputs, token_table, pos_table):
    idx = inputs.reshape(-1)
    out = pl.kernel(
        _body,
        out_type=jax.ShapeDtypeStruct((N_ROWS, D), jnp.float32),
        mesh=plsc.VectorSubcoreMesh(core_axis_name="c", subcore_axis_name="s"),
        compiler_params=pltpu.CompilerParams(use_tc_tiling_on_sc=False),
        scratch_types=[
            pltpu.VMEM((L, D), jnp.float32),
            pltpu.VMEM((ROWS_PER_W,), jnp.int32),
            pltpu.VMEM((CHUNK, D), jnp.float32),
            pltpu.VMEM((CHUNK, D), jnp.float32),
            pltpu.SemaphoreType.DMA,
            pltpu.SemaphoreType.DMA,
            pltpu.SemaphoreType.DMA,
        ],
    )(idx, token_table, pos_table)
    return out.reshape(B, L, D)

# --- scband reference (transcript-rebuilt; emitter-appended) ---
"""Pipeline reference for scband-positional-embedding-35553739276787 (READ-ONLY COPY).

The authoritative reference and input builder live on the scoring server;
editing this copy changes nothing except your own understanding.
"""

import jax, jax.numpy as jnp
import numpy as np

VOCAB_SIZE = 1000000
SEQ_LEN = 200
EMBED_DIM = 64
BATCH = 4096

def setup_inputs(seed: int = 0) -> dict:
    key = jax.random.key(seed)
    k_idx, k_tok, k_pos = jax.random.split(key, 3)
    inputs = jax.random.randint(k_idx, (BATCH, SEQ_LEN), 0, VOCAB_SIZE, dtype=jnp.int64 if jax.config.jax_enable_x64 else jnp.int32)
    token_table = jax.random.normal(k_tok, (VOCAB_SIZE, EMBED_DIM), dtype=jnp.float32) * 0.02
    pos_table = jax.random.normal(k_pos, (SEQ_LEN, EMBED_DIM), dtype=jnp.float32) * 0.02
    return {"inputs": inputs, "token_table": token_table, "pos_table": pos_table}

def reference(inputs, token_table, pos_table):
    # positions = range(0, shape(inputs)[-1])
    L = inputs.shape[-1]
    positions = jnp.arange(L)
    # embedded_tokens = token_embeddings(inputs)  -> gather
    embedded_tokens = jnp.take(token_table, inputs, axis=0)
    # embedded_positions = position_embeddings(positions) -> gather
    embedded_positions = jnp.take(pos_table, positions, axis=0)
    # broadcast add: [B, L, D] + [L, D]
    return embedded_tokens + embedded_positions

if __name__ == "__main__":
    import jax
    _d = setup_inputs()
    print(jax.jit(kernel)(*tuple(_d.values())))

</pallas_src>

<mosaic_0001>
#map = affine_map<(d0, d1) -> (0)>
#map1 = affine_map<(d0, d1) -> (0, 0)>
module attributes {stable_mosaic.version = 14 : i64} {
  func.func @_body(%arg0: i32, %arg1: i32, %arg2: memref<819200xi32, #tpu.memory_space<hbm>>, %arg3: memref<1000000x64xf32, #tpu.memory_space<hbm>>, %arg4: memref<200x64xf32, #tpu.memory_space<hbm>>, %arg5: memref<819200x64xf32, #tpu.memory_space<hbm>>, %arg6: memref<200x64xf32, #tpu.memory_space<vmem>>, %arg7: memref<25600xi32, #tpu.memory_space<vmem>>, %arg8: memref<400x64xf32, #tpu.memory_space<vmem>>, %arg9: memref<400x64xf32, #tpu.memory_space<vmem>>, %arg10: memref<!tpu.dma_semaphore, #tpu.memory_space<semaphore_mem>>, %arg11: memref<!tpu.dma_semaphore, #tpu.memory_space<semaphore_mem>>, %arg12: memref<!tpu.dma_semaphore, #tpu.memory_space<semaphore_mem>>) attributes {dimension_semantics = [#tpu.dimension_semantics<core_parallel>, #tpu.dimension_semantics<subcore_parallel>], iteration_bounds = array<i64: 2, 16>, scalar_prefetch = 0 : i64, scratch_operands = 7 : i64, tpu.core_type = #tpu.core_type<sc_vector_subcore>, window_params = [{transform_indices = #map}, {transform_indices = #map1}, {transform_indices = #map1}, {transform_indices = #map1}]} {
    %mul3A = arith.constant 2 : i32
    %mul3A_0 = arith.muli %arg1, %mul3A : i32
    %add3A = arith.addi %mul3A_0, %arg0 : i32
    %mul3A_1 = arith.constant 25600 : i32
    %mul3A_2 = arith.muli %add3A, %mul3A_1 : i32
    "tpu.region"() ({
      %run_scoped3A = tpu.sem_alloc : memref<!tpu.dma_semaphore, #tpu.memory_space<semaphore_mem>>
      tpu.enqueue_dma source(%arg4 : memref<200x64xf32, #tpu.memory_space<hbm>>) target(%arg6 : memref<200x64xf32, #tpu.memory_space<vmem>>) target_semaphore(%run_scoped3A : memref<!tpu.dma_semaphore, #tpu.memory_space<semaphore_mem>>)
      tpu.wait_dma2 semaphore(%run_scoped3A : memref<!tpu.dma_semaphore, #tpu.memory_space<semaphore_mem>>) src(%arg4 : memref<200x64xf32, #tpu.memory_space<hbm>>) dst(%arg6 : memref<200x64xf32, #tpu.memory_space<vmem>>)
      tpu.yield
    }) : () -> ()
    "tpu.region"() ({
      %run_scoped3A = tpu.sem_alloc : memref<!tpu.dma_semaphore, #tpu.memory_space<semaphore_mem>>
      %dma_start3A_59 = tpu.memref_slice %arg2[%mul3A_2] : memref<819200xi32, #tpu.memory_space<hbm>> -> memref<25600xi32, #tpu.memory_space<hbm>>
      %dma_start3A_60 = tpu.memref_slice %arg2[%mul3A_2] : memref<819200xi32, #tpu.memory_space<hbm>> -> memref<25600xi32, #tpu.memory_space<hbm>>
      tpu.enqueue_dma source(%dma_start3A_60 : memref<25600xi32, #tpu.memory_space<hbm>>) target(%arg7 : memref<25600xi32, #tpu.memory_space<vmem>>) target_semaphore(%run_scoped3A : memref<!tpu.dma_semaphore, #tpu.memory_space<semaphore_mem>>)
      %dma_wait3A_61 = tpu.memref_slice %arg2[%mul3A_2] : memref<819200xi32, #tpu.memory_space<hbm>> -> memref<25600xi32, #tpu.memory_space<hbm>>
      %dma_wait3A_62 = tpu.memref_slice %arg2[%mul3A_2] : memref<819200xi32, #tpu.memory_space<hbm>> -> memref<25600xi32, #tpu.memory_space<hbm>>
      tpu.wait_dma2 semaphore(%run_scoped3A : memref<!tpu.dma_semaphore, #tpu.memory_space<semaphore_mem>>) src(%dma_wait3A_62 : memref<25600xi32, #tpu.memory_space<hbm>>) dst(%arg7 : memref<25600xi32, #tpu.memory_space<vmem>>)
      tpu.yield
    }) : () -> ()
    %dma_start3A = arith.constant 0 : i32
    %dma_start3A_3 = tpu.memref_slice %arg7[%dma_start3A] : memref<25600xi32, #tpu.memory_space<vmem>> -> memref<400xi32, #tpu.memory_space<vmem>>
    %dma_start3A_4 = arith.constant 0 : i32
    %dma_start3A_5 = arith.constant 0 : i32
    %dma_start3A_6 = tpu.memref_slice %arg3[%dma_start3A_4, %dma_start3A_5] : memref<1000000x64xf32, #tpu.memory_space<hbm>> -> memref<1000000x64xf32, #tpu.memory_space<hbm>>
    tpu.enqueue_indirect_dma source(%dma_start3A_6 : memref<1000000x64xf32, #tpu.memory_space<hbm>>) target(%arg8 : memref<400x64xf32, #tpu.memory_space<vmem>>) offsets(%dma_start3A_3 : memref<400xi32, #tpu.memory_space<vmem>>) semaphore(%arg10 : memref<!tpu.dma_semaphore, #tpu.memory_space<semaphore_mem>>)
    %dma_start3A_7 = arith.constant 400 : i32
    %dma_start3A_8 = tpu.memref_slice %arg7[%dma_start3A_7] : memref<25600xi32, #tpu.memory_space<vmem>> -> memref<400xi32, #tpu.memory_space<vmem>>
    %dma_start3A_9 = arith.constant 0 : i32
    %dma_start3A_10 = arith.constant 0 : i32
    %dma_start3A_11 = tpu.memref_slice %arg3[%dma_start3A_9, %dma_start3A_10] : memref<1000000x64xf32, #tpu.memory_space<hbm>> -> memref<1000000x64xf32, #tpu.memory_space<hbm>>
    tpu.enqueue_indirect_dma source(%dma_start3A_11 : memref<1000000x64xf32, #tpu.memory_space<hbm>>) target(%arg9 : memref<400x64xf32, #tpu.memory_space<vmem>>) offsets(%dma_start3A_8 : memref<400xi32, #tpu.memory_space<vmem>>) semaphore(%arg11 : memref<!tpu.dma_semaphore, #tpu.memory_space<semaphore_mem>>)
    %dma_wait3A = arith.constant 0 : i32
    %dma_wait3A_12 = tpu.memref_slice %arg7[%dma_wait3A] : memref<25600xi32, #tpu.memory_space<vmem>> -> memref<400xi32, #tpu.memory_space<vmem>>
    %dma_wait3A_13 = arith.constant 0 : i32
    %dma_wait3A_14 = arith.constant 0 : i32
    %dma_wait3A_15 = tpu.memref_slice %arg3[%dma_wait3A_13, %dma_wait3A_14] : memref<1000000x64xf32, #tpu.memory_space<hbm>> -> memref<1000000x64xf32, #tpu.memory_space<hbm>>
    tpu.wait_indirect_dma semaphore(%arg10 : memref<!tpu.dma_semaphore, #tpu.memory_space<semaphore_mem>>) src(%dma_wait3A_15 : memref<1000000x64xf32, #tpu.memory_space<hbm>>) dst(%arg8 : memref<400x64xf32, #tpu.memory_space<vmem>>)
    %scan3A = arith.constant 0 : i32
    %scan3A_16 = arith.constant 200 : i32
    %scan3A_17 = arith.addi %scan3A, %scan3A_16 : i32
    %scan3A_18 = arith.constant 1 : i32
    scf.for %scan3A_59 = %scan3A to %scan3A_17 step %scan3A_18  : i32 {
      %add3A_60 = arith.constant 0 : i32
      %add3A_61 = arith.addi %add3A_60, %scan3A_59 : i32
      %get3A = arith.index_cast %add3A_61 : i32 to index
      %get3A_62 = arith.constant 0 : index
      %get3A_63 = tpu.vector_load %arg8[%get3A, %get3A_62] {strides = array<i32>} : memref<400x64xf32, #tpu.memory_space<vmem>>, vector<1x16xf32>,
      %get3A_64 = vector.shape_cast %get3A_63 : vector<1x16xf32> to vector<16xf32>
      %get3A_65 = arith.index_cast %scan3A_59 : i32 to index
      %get3A_66 = arith.constant 0 : index
      %get3A_67 = tpu.vector_load %arg6[%get3A_65, %get3A_66] {strides = array<i32>} : memref<200x64xf32, #tpu.memory_space<vmem>>, vector<1x16xf32>,
      %get3A_68 = vector.shape_cast %get3A_67 : vector<1x16xf32> to vector<16xf32>
      %add3A_69 = arith.addf %get3A_64, %get3A_68 : vector<16xf32>
      %add3A_70 = arith.constant 0 : i32
      %add3A_71 = arith.addi %add3A_70, %scan3A_59 : i32
      %swap3A = arith.index_cast %add3A_71 : i32 to index
      %swap3A_72 = arith.constant 0 : index
      %swap3A_73 = tpu.vector_load %arg8[%swap3A, %swap3A_72] {strides = array<i32>} : memref<400x64xf32, #tpu.memory_space<vmem>>, vector<1x16xf32>,
      %swap3A_74 = vector.shape_cast %swap3A_73 : vector<1x16xf32> to vector<16xf32>
      %swap3A_75 = vector.shape_cast %add3A_69 : vector<16xf32> to vector<1x16xf32>
      tpu.vector_store %arg8[%swap3A, %swap3A_72], %swap3A_75 {strides = array<i32>} : memref<400x64xf32, #tpu.memory_space<vmem>>, vector<1x16xf32>,
      %add3A_76 = arith.constant 0 : i32
      %add3A_77 = arith.addi %add3A_76, %scan3A_59 : i32
      %get3A_78 = arith.index_cast %add3A_77 : i32 to index
      %get3A_79 = arith.constant 16 : index
      %get3A_80 = tpu.vector_load %arg8[%get3A_78, %get3A_79] {strides = array<i32>} : memref<400x64xf32, #tpu.memory_space<vmem>>, vector<1x16xf32>,
      %get3A_81 = vector.shape_cast %get3A_80 : vector<1x16xf32> to vector<16xf32>
      %get3A_82 = arith.index_cast %scan3A_59 : i32 to index
      %get3A_83 = arith.constant 16 : index
      %get3A_84 = tpu.vector_load %arg6[%get3A_82, %get3A_83] {strides = array<i32>} : memref<200x64xf32, #tpu.memory_space<vmem>>, vector<1x16xf32>,
      %get3A_85 = vector.shape_cast %get3A_84 : vector<1x16xf32> to vector<16xf32>
      %add3A_86 = arith.addf %get3A_81, %get3A_85 : vector<16xf32>
      %add3A_87 = arith.constant 0 : i32
      %add3A_88 = arith.addi %add3A_87, %scan3A_59 : i32
      %swap3A_89 = arith.index_cast %add3A_88 : i32 to index
      %swap3A_90 = arith.constant 16 : index
      %swap3A_91 = tpu.vector_load %arg8[%swap3A_89, %swap3A_90] {strides = array<i32>} : memref<400x64xf32, #tpu.memory_space<vmem>>, vector<1x16xf32>,
      %swap3A_92 = vector.shape_cast %swap3A_91 : vector<1x16xf32> to vector<16xf32>
      %swap3A_93 = vector.shape_cast %add3A_86 : vector<16xf32> to vector<1x16xf32>
      tpu.vector_store %arg8[%swap3A_89, %swap3A_90], %swap3A_93 {strides = array<i32>} : memref<400x64xf32, #tpu.memory_space<vmem>>, vector<1x16xf32>,
      %add3A_94 = arith.constant 0 : i32
      %add3A_95 = arith.addi %add3A_94, %scan3A_59 : i32
      %get3A_96 = arith.index_cast %add3A_95 : i32 to index
      %get3A_97 = arith.constant 32 : index
      %get3A_98 = tpu.vector_load %arg8[%get3A_96, %get3A_97] {strides = array<i32>} : memref<400x64xf32, #tpu.memory_space<vmem>>, vector<1x16xf32>,
      %get3A_99 = vector.shape_cast %get3A_98 : vector<1x16xf32> to vector<16xf32>
      %get3A_100 = arith.index_cast %scan3A_59 : i32 to index
      %get3A_101 = arith.constant 32 : index
      %get3A_102 = tpu.vector_load %arg6[%get3A_100, %get3A_101] {strides = array<i32>} : memref<200x64xf32, #tpu.memory_space<vmem>>, vector<1x16xf32>,
      %get3A_103 = vector.shape_cast %get3A_102 : vector<1x16xf32> to vector<16xf32>
      %add3A_104 = arith.addf %get3A_99, %get3A_103 : vector<16xf32>
      %add3A_105 = arith.constant 0 : i32
      %add3A_106 = arith.addi %add3A_105, %scan3A_59 : i32
      %swap3A_107 = arith.index_cast %add3A_106 : i32 to index
      %swap3A_108 = arith.constant 32 : index
      %swap3A_109 = tpu.vector_load %arg8[%swap3A_107, %swap3A_108] {strides = array<i32>} : memref<400x64xf32, #tpu.memory_space<vmem>>, vector<1x16xf32>,
      %swap3A_110 = vector.shape_cast %swap3A_109 : vector<1x16xf32> to vector<16xf32>
      %swap3A_111 = vector.shape_cast %add3A_104 : vector<16xf32> to vector<1x16xf32>
      tpu.vector_store %arg8[%swap3A_107, %swap3A_108], %swap3A_111 {strides = array<i32>} : memref<400x64xf32, #tpu.memory_space<vmem>>, vector<1x16xf32>,
      %add3A_112 = arith.constant 0 : i32
      %add3A_113 = arith.addi %add3A_112, %scan3A_59 : i32
      %get3A_114 = arith.index_cast %add3A_113 : i32 to index
      %get3A_115 = arith.constant 48 : index
      %get3A_116 = tpu.vector_load %arg8[%get3A_114, %get3A_115] {strides = array<i32>} : memref<400x64xf32, #tpu.memory_space<vmem>>, vector<1x16xf32>,
      %get3A_117 = vector.shape_cast %get3A_116 : vector<1x16xf32> to vector<16xf32>
      %get3A_118 = arith.index_cast %scan3A_59 : i32 to index
      %get3A_119 = arith.constant 48 : index
      %get3A_120 = tpu.vector_load %arg6[%get3A_118, %get3A_119] {strides = array<i32>} : memref<200x64xf32, #tpu.memory_space<vmem>>, vector<1x16xf32>,
      %get3A_121 = vector.shape_cast %get3A_120 : vector<1x16xf32> to vector<16xf32>
      %add3A_122 = arith.addf %get3A_117, %get3A_121 : vector<16xf32>
      %add3A_123 = arith.constant 0 : i32
      %add3A_124 = arith.addi %add3A_123, %scan3A_59 : i32
      %swap3A_125 = arith.index_cast %add3A_124 : i32 to index
      %swap3A_126 = arith.constant 48 : index
      %swap3A_127 = tpu.vector_load %arg8[%swap3A_125, %swap3A_126] {strides = array<i32>} : memref<400x64xf32, #tpu.memory_space<vmem>>, vector<1x16xf32>,
      %swap3A_128 = vector.shape_cast %swap3A_127 : vector<1x16xf32> to vector<16xf32>
      %swap3A_129 = vector.shape_cast %add3A_122 : vector<16xf32> to vector<1x16xf32>
      tpu.vector_store %arg8[%swap3A_125, %swap3A_126], %swap3A_129 {strides = array<i32>} : memref<400x64xf32, #tpu.memory_space<vmem>>, vector<1x16xf32>,
      %add3A_130 = arith.constant 200 : i32
      %add3A_131 = arith.addi %add3A_130, %scan3A_59 : i32
      %get3A_132 = arith.index_cast %add3A_131 : i32 to index
      %get3A_133 = arith.constant 0 : index
      %get3A_134 = tpu.vector_load %arg8[%get3A_132, %get3A_133] {strides = array<i32>} : memref<400x64xf32, #tpu.memory_space<vmem>>, vector<1x16xf32>,
      %get3A_135 = vector.shape_cast %get3A_134 : vector<1x16xf32> to vector<16xf32>
      %get3A_136 = arith.index_cast %scan3A_59 : i32 to index
      %get3A_137 = arith.constant 0 : index
      %get3A_138 = tpu.vector_load %arg6[%get3A_136, %get3A_137] {strides = array<i32>} : memref<200x64xf32, #tpu.memory_space<vmem>>, vector<1x16xf32>,
      %get3A_139 = vector.shape_cast %get3A_138 : vector<1x16xf32> to vector<16xf32>
      %add3A_140 = arith.addf %get3A_135, %get3A_139 : vector<16xf32>
      %add3A_141 = arith.constant 200 : i32
      %add3A_142 = arith.addi %add3A_141, %scan3A_59 : i32
      %swap3A_143 = arith.index_cast %add3A_142 : i32 to index
      %swap3A_144 = arith.constant 0 : index
      %swap3A_145 = tpu.vector_load %arg8[%swap3A_143, %swap3A_144] {strides = array<i32>} : memref<400x64xf32, #tpu.memory_space<vmem>>, vector<1x16xf32>,
      %swap3A_146 = vector.shape_cast %swap3A_145 : vector<1x16xf32> to vector<16xf32>
      %swap3A_147 = vector.shape_cast %add3A_140 : vector<16xf32> to vector<1x16xf32>
      tpu.vector_store %arg8[%swap3A_143, %swap3A_144], %swap3A_147 {strides = array<i32>} : memref<400x64xf32, #tpu.memory_space<vmem>>, vector<1x16xf32>,
      %add3A_148 = arith.constant 200 : i32
      %add3A_149 = arith.addi %add3A_148, %scan3A_59 : i32
      %get3A_150 = arith.index_cast %add3A_149 : i32 to index
      %get3A_151 = arith.constant 16 : index
      %get3A_152 = tpu.vector_load %arg8[%get3A_150, %get3A_151] {strides = array<i32>} : memref<400x64xf32, #tpu.memory_space<vmem>>, vector<1x16xf32>,
      %get3A_153 = vector.shape_cast %get3A_152 : vector<1x16xf32> to vector<16xf32>
      %get3A_154 = arith.index_cast %scan3A_59 : i32 to index
      %get3A_155 = arith.constant 16 : index
      %get3A_156 = tpu.vector_load %arg6[%get3A_154, %get3A_155] {strides = array<i32>} : memref<200x64xf32, #tpu.memory_space<vmem>>, vector<1x16xf32>,
      %get3A_157 = vector.shape_cast %get3A_156 : vector<1x16xf32> to vector<16xf32>
      %add3A_158 = arith.addf %get3A_153, %get3A_157 : vector<16xf32>
      %add3A_159 = arith.constant 200 : i32
      %add3A_160 = arith.addi %add3A_159, %scan3A_59 : i32
      %swap3A_161 = arith.index_cast %add3A_160 : i32 to index
      %swap3A_162 = arith.constant 16 : index
      %swap3A_163 = tpu.vector_load %arg8[%swap3A_161, %swap3A_162] {strides = array<i32>} : memref<400x64xf32, #tpu.memory_space<vmem>>, vector<1x16xf32>,
      %swap3A_164 = vector.shape_cast %swap3A_163 : vector<1x16xf32> to vector<16xf32>
      %swap3A_165 = vector.shape_cast %add3A_158 : vector<16xf32> to vector<1x16xf32>
      tpu.vector_store %arg8[%swap3A_161, %swap3A_162], %swap3A_165 {strides = array<i32>} : memref<400x64xf32, #tpu.memory_space<vmem>>, vector<1x16xf32>,
      %add3A_166 = arith.constant 200 : i32
      %add3A_167 = arith.addi %add3A_166, %scan3A_59 : i32
      %get3A_168 = arith.index_cast %add3A_167 : i32 to index
      %get3A_169 = arith.constant 32 : index
      %get3A_170 = tpu.vector_load %arg8[%get3A_168, %get3A_169] {strides = array<i32>} : memref<400x64xf32, #tpu.memory_space<vmem>>, vector<1x16xf32>,
      %get3A_171 = vector.shape_cast %get3A_170 : vector<1x16xf32> to vector<16xf32>
      %get3A_172 = arith.index_cast %scan3A_59 : i32 to index
      %get3A_173 = arith.constant 32 : index
      %get3A_174 = tpu.vector_load %arg6[%get3A_172, %get3A_173] {strides = array<i32>} : memref<200x64xf32, #tpu.memory_space<vmem>>, vector<1x16xf32>,
      %get3A_175 = vector.shape_cast %get3A_174 : vector<1x16xf32> to vector<16xf32>
      %add3A_176 = arith.addf %get3A_171, %get3A_175 : vector<16xf32>
      %add3A_177 = arith.constant 200 : i32
      %add3A_178 = arith.addi %add3A_177, %scan3A_59 : i32
      %swap3A_179 = arith.index_cast %add3A_178 : i32 to index
      %swap3A_180 = arith.constant 32 : index
      %swap3A_181 = tpu.vector_load %arg8[%swap3A_179, %swap3A_180] {strides = array<i32>} : memref<400x64xf32, #tpu.memory_space<vmem>>, vector<1x16xf32>,
      %swap3A_182 = vector.shape_cast %swap3A_181 : vector<1x16xf32> to vector<16xf32>
      %swap3A_183 = vector.shape_cast %add3A_176 : vector<16xf32> to vector<1x16xf32>
      tpu.vector_store %arg8[%swap3A_179, %swap3A_180], %swap3A_183 {strides = array<i32>} : memref<400x64xf32, #tpu.memory_space<vmem>>, vector<1x16xf32>,
      %add3A_184 = arith.constant 200 : i32
      %add3A_185 = arith.addi %add3A_184, %scan3A_59 : i32
      %get3A_186 = arith.index_cast %add3A_185 : i32 to index
      %get3A_187 = arith.constant 48 : index
      %get3A_188 = tpu.vector_load %arg8[%get3A_186, %get3A_187] {strides = array<i32>} : memref<400x64xf32, #tpu.memory_space<vmem>>, vector<1x16xf32>,
      %get3A_189 = vector.shape_cast %get3A_188 : vector<1x16xf32> to vector<16xf32>
      %get3A_190 = arith.index_cast %scan3A_59 : i32 to index
      %get3A_191 = arith.constant 48 : index
      %get3A_192 = tpu.vector_load %arg6[%get3A_190, %get3A_191] {strides = array<i32>} : memref<200x64xf32, #tpu.memory_space<vmem>>, vector<1x16xf32>,
      %get3A_193 = vector.shape_cast %get3A_192 : vector<1x16xf32> to vector<16xf32>
      %add3A_194 = arith.addf %get3A_189, %get3A_193 : vector<16xf32>
      %add3A_195 = arith.constant 200 : i32
      %add3A_196 = arith.addi %add3A_195, %scan3A_59 : i32
      %swap3A_197 = arith.index_cast %add3A_196 : i32 to index
      %swap3A_198 = arith.constant 48 : index
      %swap3A_199 = tpu.vector_load %arg8[%swap3A_197, %swap3A_198] {strides = array<i32>} : memref<400x64xf32, #tpu.memory_space<vmem>>, vector<1x16xf32>,
      %swap3A_200 = vector.shape_cast %swap3A_199 : vector<1x16xf32> to vector<16xf32>
      %swap3A_201 = vector.shape_cast %add3A_194 : vector<16xf32> to vector<1x16xf32>
      tpu.vector_store %arg8[%swap3A_197, %swap3A_198], %swap3A_201 {strides = array<i32>} : memref<400x64xf32, #tpu.memory_space<vmem>>, vector<1x16xf32>,
    }
    %scan3A_19 = arith.constant 200 : i32
    %add3A_20 = arith.constant 0 : i32
    %add3A_21 = arith.addi %mul3A_2, %add3A_20 : i32
    %dma_start3A_22 = arith.constant 0 : i32
    %dma_start3A_23 = tpu.memref_slice %arg5[%add3A_21, %dma_start3A_22] : memref<819200x64xf32, #tpu.memory_space<hbm>> -> memref<400x64xf32, #tpu.memory_space<hbm>>
    %dma_start3A_24 = arith.constant 0 : i32
    %dma_start3A_25 = tpu.memref_slice %arg5[%add3A_21, %dma_start3A_24] : memref<819200x64xf32, #tpu.memory_space<hbm>> -> memref<400x64xf32, #tpu.memory_space<hbm>>
    tpu.enqueue_dma source(%arg8 : memref<400x64xf32, #tpu.memory_space<vmem>>) target(%dma_start3A_25 : memref<400x64xf32, #tpu.memory_space<hbm>>) target_semaphore(%arg12 : memref<!tpu.dma_semaphore, #tpu.memory_space<semaphore_mem>>)
    %scan3A_26 = arith.constant 0 : i32
    %scan3A_27 = arith.constant 31 : i32
    %scan3A_28 = arith.addi %scan3A_26, %scan3A_27 : i32
    %scan3A_29 = arith.constant 1 : i32
    scf.for %scan3A_59 = %scan3A_26 to %scan3A_28 step %scan3A_29  : i32 {
      %mul3A_60 = arith.constant 2 : i32
      %mul3A_61 = arith.muli %mul3A_60, %scan3A_59 : i32
      %add3A_62 = arith.constant 1 : i32
      %add3A_63 = arith.addi %mul3A_61, %add3A_62 : i32
      %sub3A = arith.constant 1 : i32
      %sub3A_64 = arith.subi %add3A_63, %sub3A : i32
      %mul3A_65 = arith.constant 400 : i32
      %mul3A_66 = arith.muli %sub3A_64, %mul3A_65 : i32
      %add3A_67 = arith.addi %mul3A_2, %mul3A_66 : i32
      %dma_wait3A_68 = arith.constant 0 : i32
      %dma_wait3A_69 = tpu.memref_slice %arg5[%add3A_67, %dma_wait3A_68] : memref<819200x64xf32, #tpu.memory_space<hbm>> -> memref<400x64xf32, #tpu.memory_space<hbm>>
      %dma_wait3A_70 = arith.constant 0 : i32
      %dma_wait3A_71 = tpu.memref_slice %arg5[%add3A_67, %dma_wait3A_70] : memref<819200x64xf32, #tpu.memory_space<hbm>> -> memref<400x64xf32, #tpu.memory_space<hbm>>
      tpu.wait_dma2 semaphore(%arg12 : memref<!tpu.dma_semaphore, #tpu.memory_space<semaphore_mem>>) src(%arg8 : memref<400x64xf32, #tpu.memory_space<vmem>>) dst(%dma_wait3A_71 : memref<400x64xf32, #tpu.memory_space<hbm>>)
      %add3A_72 = arith.constant 1 : i32
      %add3A_73 = arith.addi %add3A_63, %add3A_72 : i32
      %mul3A_74 = arith.constant 400 : i32
      %mul3A_75 = arith.muli %add3A_73, %mul3A_74 : i32
      %dma_start3A_76 = tpu.memref_slice %arg7[%mul3A_75] : memref<25600xi32, #tpu.memory_space<vmem>> -> memref<400xi32, #tpu.memory_space<vmem>>
      %dma_start3A_77 = arith.constant 0 : i32
      %dma_start3A_78 = arith.constant 0 : i32
      %dma_start3A_79 = tpu.memref_slice %arg3[%dma_start3A_77, %dma_start3A_78] : memref<1000000x64xf32, #tpu.memory_space<hbm>> -> memref<1000000x64xf32, #tpu.memory_space<hbm>>
      tpu.enqueue_indirect_dma source(%dma_start3A_79 : memref<1000000x64xf32, #tpu.memory_space<hbm>>) target(%arg8 : memref<400x64xf32, #tpu.memory_space<vmem>>) offsets(%dma_start3A_76 : memref<400xi32, #tpu.memory_space<vmem>>) semaphore(%arg10 : memref<!tpu.dma_semaphore, #tpu.memory_space<semaphore_mem>>)
      %mul3A_80 = arith.constant 400 : i32
      %mul3A_81 = arith.muli %add3A_63, %mul3A_80 : i32
      %dma_wait3A_82 = tpu.memref_slice %arg7[%mul3A_81] : memref<25600xi32, #tpu.memory_space<vmem>> -> memref<400xi32, #tpu.memory_space<vmem>>
      %dma_wait3A_83 = arith.constant 0 : i32
      %dma_wait3A_84 = arith.constant 0 : i32
      %dma_wait3A_85 = tpu.memref_slice %arg3[%dma_wait3A_83, %dma_wait3A_84] : memref<1000000x64xf32, #tpu.memory_space<hbm>> -> memref<1000000x64xf32, #tpu.memory_space<hbm>>
      tpu.wait_indirect_dma semaphore(%arg11 : memref<!tpu.dma_semaphore, #tpu.memory_space<semaphore_mem>>) src(%dma_wait3A_85 : memref<1000000x64xf32, #tpu.memory_space<hbm>>) dst(%arg9 : memref<400x64xf32, #tpu.memory_space<vmem>>)
      %scan3A_86 = arith.constant 0 : i32
      %scan3A_87 = arith.constant 200 : i32
      %scan3A_88 = arith.addi %scan3A_86, %scan3A_87 : i32
      %scan3A_89 = arith.constant 1 : i32
      scf.for %scan3A_137 = %scan3A_86 to %scan3A_88 step %scan3A_89  : i32 {
        %add3A_138 = arith.constant 0 : i32
        %add3A_139 = arith.addi %add3A_138, %scan3A_137 : i32
        %get3A = arith.index_cast %add3A_139 : i32 to index
        %get3A_140 = arith.constant 0 : index
        %get3A_141 = tpu.vector_load %arg9[%get3A, %get3A_140] {strides = array<i32>} : memref<400x64xf32, #tpu.memory_space<vmem>>, vector<1x16xf32>,
        %get3A_142 = vector.shape_cast %get3A_141 : vector<1x16xf32> to vector<16xf32>
        %get3A_143 = arith.index_cast %scan3A_137 : i32 to index
        %get3A_144 = arith.constant 0 : index
        %get3A_145 = tpu.vector_load %arg6[%get3A_143, %get3A_144] {strides = array<i32>} : memref<200x64xf32, #tpu.memory_space<vmem>>, vector<1x16xf32>,
        %get3A_146 = vector.shape_cast %get3A_145 : vector<1x16xf32> to vector<16xf32>
        %add3A_147 = arith.addf %get3A_142, %get3A_146 : vector<16xf32>
        %add3A_148 = arith.constant 0 : i32
        %add3A_149 = arith.addi %add3A_148, %scan3A_137 : i32
        %swap3A = arith.index_cast %add3A_149 : i32 to index
        %swap3A_150 = arith.constant 0 : index
        %swap3A_151 = tpu.vector_load %arg9[%swap3A, %swap3A_150] {strides = array<i32>} : memref<400x64xf32, #tpu.memory_space<vmem>>, vector<1x16xf32>,
        %swap3A_152 = vector.shape_cast %swap3A_151 : vector<1x16xf32> to vector<16xf32>
        %swap3A_153 = vector.shape_cast %add3A_147 : vector<16xf32> to vector<1x16xf32>
        tpu.vector_store %arg9[%swap3A, %swap3A_150], %swap3A_153 {strides = array<i32>} : memref<400x64xf32, #tpu.memory_space<vmem>>, vector<1x16xf32>,
        %add3A_154 = arith.constant 0 : i32
        %add3A_155 = arith.addi %add3A_154, %scan3A_137 : i32
        %get3A_156 = arith.index_cast %add3A_155 : i32 to index
        %get3A_157 = arith.constant 16 : index
        %get3A_158 = tpu.vector_load %arg9[%get3A_156, %get3A_157] {strides = array<i32>} : memref<400x64xf32, #tpu.memory_space<vmem>>, vector<1x16xf32>,
        %get3A_159 = vector.shape_cast %get3A_158 : vector<1x16xf32> to vector<16xf32>
        %get3A_160 = arith.index_cast %scan3A_137 : i32 to index
        %get3A_161 = arith.constant 16 : index
        %get3A_162 = tpu.vector_load %arg6[%get3A_160, %get3A_161] {strides = array<i32>} : memref<200x64xf32, #tpu.memory_space<vmem>>, vector<1x16xf32>,
        %get3A_163 = vector.shape_cast %get3A_162 : vector<1x16xf32> to vector<16xf32>
        %add3A_164 = arith.addf %get3A_159, %get3A_163 : vector<16xf32>
        %add3A_165 = arith.constant 0 : i32
        %add3A_166 = arith.addi %add3A_165, %scan3A_137 : i32
        %swap3A_167 = arith.index_cast %add3A_166 : i32 to index
        %swap3A_168 = arith.constant 16 : index
        %swap3A_169 = tpu.vector_load %arg9[%swap3A_167, %swap3A_168] {strides = array<i32>} : memref<400x64xf32, #tpu.memory_space<vmem>>, vector<1x16xf32>,
        %swap3A_170 = vector.shape_cast %swap3A_169 : vector<1x16xf32> to vector<16xf32>
        %swap3A_171 = vector.shape_cast %add3A_164 : vector<16xf32> to vector<1x16xf32>
        tpu.vector_store %arg9[%swap3A_167, %swap3A_168], %swap3A_171 {strides = array<i32>} : memref<400x64xf32, #tpu.memory_space<vmem>>, vector<1x16xf32>,
        %add3A_172 = arith.constant 0 : i32
        %add3A_173 = arith.addi %add3A_172, %scan3A_137 : i32
        %get3A_174 = arith.index_cast %add3A_173 : i32 to index
        %get3A_175 = arith.constant 32 : index
        %get3A_176 = tpu.vector_load %arg9[%get3A_174, %get3A_175] {strides = array<i32>} : memref<400x64xf32, #tpu.memory_space<vmem>>, vector<1x16xf32>,
        %get3A_177 = vector.shape_cast %get3A_176 : vector<1x16xf32> to vector<16xf32>
        %get3A_178 = arith.index_cast %scan3A_137 : i32 to index
        %get3A_179 = arith.constant 32 : index
        %get3A_180 = tpu.vector_load %arg6[%get3A_178, %get3A_179] {strides = array<i32>} : memref<200x64xf32, #tpu.memory_space<vmem>>, vector<1x16xf32>,
        %get3A_181 = vector.shape_cast %get3A_180 : vector<1x16xf32> to vector<16xf32>
        %add3A_182 = arith.addf %get3A_177, %get3A_181 : vector<16xf32>
        %add3A_183 = arith.constant 0 : i32
        %add3A_184 = arith.addi %add3A_183, %scan3A_137 : i32
        %swap3A_185 = arith.index_cast %add3A_184 : i32 to index
        %swap3A_186 = arith.constant 32 : index
        %swap3A_187 = tpu.vector_load %arg9[%swap3A_185, %swap3A_186] {strides = array<i32>} : memref<400x64xf32, #tpu.memory_space<vmem>>, vector<1x16xf32>,
        %swap3A_188 = vector.shape_cast %swap3A_187 : vector<1x16xf32> to vector<16xf32>
        %swap3A_189 = vector.shape_cast %add3A_182 : vector<16xf32> to vector<1x16xf32>
        tpu.vector_store %arg9[%swap3A_185, %swap3A_186], %swap3A_189 {strides = array<i32>} : memref<400x64xf32, #tpu.memory_space<vmem>>, vector<1x16xf32>,
        %add3A_190 = arith.constant 0 : i32
        %add3A_191 = arith.addi %add3A_190, %scan3A_137 : i32
        %get3A_192 = arith.index_cast %add3A_191 : i32 to index
        %get3A_193 = arith.constant 48 : index
        %get3A_194 = tpu.vector_load %arg9[%get3A_192, %get3A_193] {strides = array<i32>} : memref<400x64xf32, #tpu.memory_space<vmem>>, vector<1x16xf32>,
        %get3A_195 = vector.shape_cast %get3A_194 : vector<1x16xf32> to vector<16xf32>
        %get3A_196 = arith.index_cast %scan3A_137 : i32 to index
        %get3A_197 = arith.constant 48 : index
        %get3A_198 = tpu.vector_load %arg6[%get3A_196, %get3A_197] {strides = array<i32>} : memref<200x64xf32, #tpu.memory_space<vmem>>, vector<1x16xf32>,
        %get3A_199 = vector.shape_cast %get3A_198 : vector<1x16xf32> to vector<16xf32>
        %add3A_200 = arith.addf %get3A_195, %get3A_199 : vector<16xf32>
        %add3A_201 = arith.constant 0 : i32
        %add3A_202 = arith.addi %add3A_201, %scan3A_137 : i32
        %swap3A_203 = arith.index_cast %add3A_202 : i32 to index
        %swap3A_204 = arith.constant 48 : index
        %swap3A_205 = tpu.vector_load %arg9[%swap3A_203, %swap3A_204] {strides = array<i32>} : memref<400x64xf32, #tpu.memory_space<vmem>>, vector<1x16xf32>,
        %swap3A_206 = vector.shape_cast %swap3A_205 : vector<1x16xf32> to vector<16xf32>
        %swap3A_207 = vector.shape_cast %add3A_200 : vector<16xf32> to vector<1x16xf32>
        tpu.vector_store %arg9[%swap3A_203, %swap3A_204], %swap3A_207 {strides = array<i32>} : memref<400x64xf32, #tpu.memory_space<vmem>>, vector<1x16xf32>,
        %add3A_208 = arith.constant 200 : i32
        %add3A_209 = arith.addi %add3A_208, %scan3A_137 : i32
        %get3A_210 = arith.index_cast %add3A_209 : i32 to index
        %get3A_211 = arith.constant 0 : index
        %get3A_212 = tpu.vector_load %arg9[%get3A_210, %get3A_211] {strides = array<i32>} : memref<400x64xf32, #tpu.memory_space<vmem>>, vector<1x16xf32>,
        %get3A_213 = vector.shape_cast %get3A_212 : vector<1x16xf32> to vector<16xf32>
        %get3A_214 = arith.index_cast %scan3A_137 : i32 to index
        %get3A_215 = arith.constant 0 : index
        %get3A_216 = tpu.vector_load %arg6[%get3A_214, %get3A_215] {strides = array<i32>} : memref<200x64xf32, #tpu.memory_space<vmem>>, vector<1x16xf32>,
        %get3A_217 = vector.shape_cast %get3A_216 : vector<1x16xf32> to vector<16xf32>
        %add3A_218 = arith.addf %get3A_213, %get3A_217 : vector<16xf32>
        %add3A_219 = arith.constant 200 : i32
        %add3A_220 = arith.addi %add3A_219, %scan3A_137 : i32
        %swap3A_221 = arith.index_cast %add3A_220 : i32 to index
        %swap3A_222 = arith.constant 0 : index
        %swap3A_223 = tpu.vector_load %arg9[%swap3A_221, %swap3A_222] {strides = array<i32>} : memref<400x64xf32, #tpu.memory_space<vmem>>, vector<1x16xf32>,
        %swap3A_224 = vector.shape_cast %swap3A_223 : vector<1x16xf32> to vector<16xf32>
        %swap3A_225 = vector.shape_cast %add3A_218 : vector<16xf32> to vector<1x16xf32>
        tpu.vector_store %arg9[%swap3A_221, %swap3A_222], %swap3A_225 {strides = array<i32>} : memref<400x64xf32, #tpu.memory_space<vmem>>, vector<1x16xf32>,
        %add3A_226 = arith.constant 200 : i32
        %add3A_227 = arith.addi %add3A_226, %scan3A_137 : i32
        %get3A_228 = arith.index_cast %add3A_227 : i32 to index
        %get3A_229 = arith.constant 16 : index
        %get3A_230 = tpu.vector_load %arg9[%get3A_228, %get3A_229] {strides = array<i32>} : memref<400x64xf32, #tpu.memory_space<vmem>>, vector<1x16xf32>,
        %get3A_231 = vector.shape_cast %get3A_230 : vector<1x16xf32> to vector<16xf32>
        %get3A_232 = arith.index_cast %scan3A_137 : i32 to index
        %get3A_233 = arith.constant 16 : index
        %get3A_234 = tpu.vector_load %arg6[%get3A_232, %get3A_233] {strides = array<i32>} : memref<200x64xf32, #tpu.memory_space<vmem>>, vector<1x16xf32>,
        %get3A_235 = vector.shape_cast %get3A_234 : vector<1x16xf32> to vector<16xf32>
        %add3A_236 = arith.addf %get3A_231, %get3A_235 : vector<16xf32>
        %add3A_237 = arith.constant 200 : i32
        %add3A_238 = arith.addi %add3A_237, %scan3A_137 : i32
        %swap3A_239 = arith.index_cast %add3A_238 : i32 to index
        %swap3A_240 = arith.constant 16 : index
        %swap3A_241 = tpu.vector_load %arg9[%swap3A_239, %swap3A_240] {strides = array<i32>} : memref<400x64xf32, #tpu.memory_space<vmem>>, vector<1x16xf32>,
        %swap3A_242 = vector.shape_cast %swap3A_241 : vector<1x16xf32> to vector<16xf32>
        %swap3A_243 = vector.shape_cast %add3A_236 : vector<16xf32> to vector<1x16xf32>
        tpu.vector_store %arg9[%swap3A_239, %swap3A_240], %swap3A_243 {strides = array<i32>} : memref<400x64xf32, #tpu.memory_space<vmem>>, vector<1x16xf32>,
        %add3A_244 = arith.constant 200 : i32
        %add3A_245 = arith.addi %add3A_244, %scan3A_137 : i32
        %get3A_246 = arith.index_cast %add3A_245 : i32 to index
        %get3A_247 = arith.constant 32 : index
        %get3A_248 = tpu.vector_load %arg9[%get3A_246, %get3A_247] {strides = array<i32>} : memref<400x64xf32, #tpu.memory_space<vmem>>, vector<1x16xf32>,
        %get3A_249 = vector.shape_cast %get3A_248 : vector<1x16xf32> to vector<16xf32>
        %get3A_250 = arith.index_cast %scan3A_137 : i32 to index
        %get3A_251 = arith.constant 32 : index
        %get3A_252 = tpu.vector_load %arg6[%get3A_250, %get3A_251] {strides = array<i32>} : memref<200x64xf32, #tpu.memory_space<vmem>>, vector<1x16xf32>,
        %get3A_253 = vector.shape_cast %get3A_252 : vector<1x16xf32> to vector<16xf32>
        %add3A_254 = arith.addf %get3A_249, %get3A_253 : vector<16xf32>
        %add3A_255 = arith.constant 200 : i32
        %add3A_256 = arith.addi %add3A_255, %scan3A_137 : i32
        %swap3A_257 = arith.index_cast %add3A_256 : i32 to index
        %swap3A_258 = arith.constant 32 : index
        %swap3A_259 = tpu.vector_load %arg9[%swap3A_257, %swap3A_258] {strides = array<i32>} : memref<400x64xf32, #tpu.memory_space<vmem>>, vector<1x16xf32>,
        %swap3A_260 = vector.shape_cast %swap3A_259 : vector<1x16xf32> to vector<16xf32>
        %swap3A_261 = vector.shape_cast %add3A_254 : vector<16xf32> to vector<1x16xf32>
        tpu.vector_store %arg9[%swap3A_257, %swap3A_258], %swap3A_261 {strides = array<i32>} : memref<400x64xf32, #tpu.memory_space<vmem>>, vector<1x16xf32>,
        %add3A_262 = arith.constant 200 : i32
        %add3A_263 = arith.addi %add3A_262, %scan3A_137 : i32
        %get3A_264 = arith.index_cast %add3A_263 : i32 to index
        %get3A_265 = arith.constant 48 : index
        %get3A_266 = tpu.vector_load %arg9[%get3A_264, %get3A_265] {strides = array<i32>} : memref<400x64xf32, #tpu.memory_space<vmem>>, vector<1x16xf32>,
        %get3A_267 = vector.shape_cast %get3A_266 : vector<1x16xf32> to vector<16xf32>
        %get3A_268 = arith.index_cast %scan3A_137 : i32 to index
        %get3A_269 = arith.constant 48 : index
        %get3A_270 = tpu.vector_load %arg6[%get3A_268, %get3A_269] {strides = array<i32>} : memref<200x64xf32, #tpu.memory_space<vmem>>, vector<1x16xf32>,
        %get3A_271 = vector.shape_cast %get3A_270 : vector<1x16xf32> to vector<16xf32>
        %add3A_272 = arith.addf %get3A_267, %get3A_271 : vector<16xf32>
        %add3A_273 = arith.constant 200 : i32
        %add3A_274 = arith.addi %add3A_273, %scan3A_137 : i32
        %swap3A_275 = arith.index_cast %add3A_274 : i32 to index
        %swap3A_276 = arith.constant 48 : index
        %swap3A_277 = tpu.vector_load %arg9[%swap3A_275, %swap3A_276] {strides = array<i32>} : memref<400x64xf32, #tpu.memory_space<vmem>>, vector<1x16xf32>,
        %swap3A_278 = vector.shape_cast %swap3A_277 : vector<1x16xf32> to vector<16xf32>
        %swap3A_279 = vector.shape_cast %add3A_272 : vector<16xf32> to vector<1x16xf32>
        tpu.vector_store %arg9[%swap3A_275, %swap3A_276], %swap3A_279 {strides = array<i32>} : memref<400x64xf32, #tpu.memory_space<vmem>>, vector<1x16xf32>,
      }
      %scan3A_90 = arith.constant 200 : i32
      %mul3A_91 = arith.constant 400 : i32
      %mul3A_92 = arith.muli %add3A_63, %mul3A_91 : i32
      %add3A_93 = arith.addi %mul3A_2, %mul3A_92 : i32
      %dma_start3A_94 = arith.constant 0 : i32
      %dma_start3A_95 = tpu.memref_slice %arg5[%add3A_93, %dma_start3A_94] : memref<819200x64xf32, #tpu.memory_space<hbm>> -> memref<400x64xf32, #tpu.memory_space<hbm>>
      %dma_start3A_96 = arith.constant 0 : i32
      %dma_start3A_97 = tpu.memref_slice %arg5[%add3A_93, %dma_start3A_96] : memref<819200x64xf32, #tpu.memory_space<hbm>> -> memref<400x64xf32, #tpu.memory_space<hbm>>
      tpu.enqueue_dma source(%arg9 : memref<400x64xf32, #tpu.memory_space<vmem>>) target(%dma_start3A_97 : memref<400x64xf32, #tpu.memory_space<hbm>>) target_semaphore(%arg12 : memref<!tpu.dma_semaphore, #tpu.memory_space<semaphore_mem>>)
      %mul3A_98 = arith.constant 2 : i32
      %mul3A_99 = arith.muli %mul3A_98, %scan3A_59 : i32
      %add3A_100 = arith.constant 2 : i32
      %add3A_101 = arith.addi %mul3A_99, %add3A_100 : i32
      %sub3A_102 = arith.constant 1 : i32
      %sub3A_103 = arith.subi %add3A_101, %sub3A_102 : i32
      %mul3A_104 = arith.constant 400 : i32
      %mul3A_105 = arith.muli %sub3A_103, %mul3A_104 : i32
      %add3A_106 = arith.addi %mul3A_2, %mul3A_105 : i32
      %dma_wait3A_107 = arith.constant 0 : i32
      %dma_wait3A_108 = tpu.memref_slice %arg5[%add3A_106, %dma_wait3A_107] : memref<819200x64xf32, #tpu.memory_space<hbm>> -> memref<400x64xf32, #tpu.memory_space<hbm>>
      %dma_wait3A_109 = arith.constant 0 : i32
      %dma_wait3A_110 = tpu.memref_slice %arg5[%add3A_106, %dma_wait3A_109] : memref<819200x64xf32, #tpu.memory_space<hbm>> -> memref<400x64xf32, #tpu.memory_space<hbm>>
      tpu.wait_dma2 semaphore(%arg12 : memref<!tpu.dma_semaphore, #tpu.memory_space<semaphore_mem>>) src(%arg9 : memref<400x64xf32, #tpu.memory_space<vmem>>) dst(%dma_wait3A_110 : memref<400x64xf32, #tpu.memory_space<hbm>>)
      %add3A_111 = arith.constant 1 : i32
      %add3A_112 = arith.addi %add3A_101, %add3A_111 : i32
      %mul3A_113 = arith.constant 400 : i32
      %mul3A_114 = arith.muli %add3A_112, %mul3A_113 : i32
      %dma_start3A_115 = tpu.memref_slice %arg7[%mul3A_114] : memref<25600xi32, #tpu.memory_space<vmem>> -> memref<400xi32, #tpu.memory_space<vmem>>
      %dma_start3A_116 = arith.constant 0 : i32
      %dma_start3A_117 = arith.constant 0 : i32
      %dma_start3A_118 = tpu.memref_slice %arg3[%dma_start3A_116, %dma_start3A_117] : memref<1000000x64xf32, #tpu.memory_space<hbm>> -> memref<1000000x64xf32, #tpu.memory_space<hbm>>
      tpu.enqueue_indirect_dma source(%dma_start3A_118 : memref<1000000x64xf32, #tpu.memory_space<hbm>>) target(%arg9 : memref<400x64xf32, #tpu.memory_space<vmem>>) offsets(%dma_start3A_115 : memref<400xi32, #tpu.memory_space<vmem>>) semaphore(%arg11 : memref<!tpu.dma_semaphore, #tpu.memory_space<semaphore_mem>>)
      %mul3A_119 = arith.constant 400 : i32
      %mul3A_120 = arith.muli %add3A_101, %mul3A_119 : i32
      %dma_wait3A_121 = tpu.memref_slice %arg7[%mul3A_120] : memref<25600xi32, #tpu.memory_space<vmem>> -> memref<400xi32, #tpu.memory_space<vmem>>
      %dma_wait3A_122 = arith.constant 0 : i32
      %dma_wait3A_123 = arith.constant 0 : i32
      %dma_wait3A_124 = tpu.memref_slice %arg3[%dma_wait3A_122, %dma_wait3A_123] : memref<1000000x64xf32, #tpu.memory_space<hbm>> -> memref<1000000x64xf32, #tpu.memory_space<hbm>>
      tpu.wait_indirect_dma semaphore(%arg10 : memref<!tpu.dma_semaphore, #tpu.memory_space<semaphore_mem>>) src(%dma_wait3A_124 : memref<1000000x64xf32, #tpu.memory_space<hbm>>) dst(%arg8 : memref<400x64xf32, #tpu.memory_space<vmem>>)
      %scan3A_125 = arith.constant 0 : i32
      %scan3A_126 = arith.constant 200 : i32
      %scan3A_127 = arith.addi %scan3A_125, %scan3A_126 : i32
      %scan3A_128 = arith.constant 1 : i32
      scf.for %scan3A_137 = %scan3A_125 to %scan3A_127 step %scan3A_128  : i32 {
        %add3A_138 = arith.constant 0 : i32
        %add3A_139 = arith.addi %add3A_138, %scan3A_137 : i32
        %get3A = arith.index_cast %add3A_139 : i32 to index
        %get3A_140 = arith.constant 0 : index
        %get3A_141 = tpu.vector_load %arg8[%get3A, %get3A_140] {strides = array<i32>} : memref<400x64xf32, #tpu.memory_space<vmem>>, vector<1x16xf32>,
        %get3A_142 = vector.shape_cast %get3A_141 : vector<1x16xf32> to vector<16xf32>
        %get3A_143 = arith.index_cast %scan3A_137 : i32 to index
        %get3A_144 = arith.constant 0 : index
        %get3A_145 = tpu.vector_load %arg6[%get3A_143, %get3A_144] {strides = array<i32>} : memref<200x64xf32, #tpu.memory_space<vmem>>, vector<1x16xf32>,
        %get3A_146 = vector.shape_cast %get3A_145 : vector<1x16xf32> to vector<16xf32>
        %add3A_147 = arith.addf %get3A_142, %get3A_146 : vector<16xf32>
        %add3A_148 = arith.constant 0 : i32
        %add3A_149 = arith.addi %add3A_148, %scan3A_137 : i32
        %swap3A = arith.index_cast %add3A_149 : i32 to index
        %swap3A_150 = arith.constant 0 : index
        %swap3A_151 = tpu.vector_load %arg8[%swap3A, %swap3A_150] {strides = array<i32>} : memref<400x64xf32, #tpu.memory_space<vmem>>, vector<1x16xf32>,
        %swap3A_152 = vector.shape_cast %swap3A_151 : vector<1x16xf32> to vector<16xf32>
        %swap3A_153 = vector.shape_cast %add3A_147 : vector<16xf32> to vector<1x16xf32>
        tpu.vector_store %arg8[%swap3A, %swap3A_150], %swap3A_153 {strides = array<i32>} : memref<400x64xf32, #tpu.memory_space<vmem>>, vector<1x16xf32>,
        %add3A_154 = arith.constant 0 : i32
        %add3A_155 = arith.addi %add3A_154, %scan3A_137 : i32
        %get3A_156 = arith.index_cast %add3A_155 : i32 to index
        %get3A_157 = arith.constant 16 : index
        %get3A_158 = tpu.vector_load %arg8[%get3A_156, %get3A_157] {strides = array<i32>} : memref<400x64xf32, #tpu.memory_space<vmem>>, vector<1x16xf32>,
        %get3A_159 = vector.shape_cast %get3A_158 : vector<1x16xf32> to vector<16xf32>
        %get3A_160 = arith.index_cast %scan3A_137 : i32 to index
        %get3A_161 = arith.constant 16 : index
        %get3A_162 = tpu.vector_load %arg6[%get3A_160, %get3A_161] {strides = array<i32>} : memref<200x64xf32, #tpu.memory_space<vmem>>, vector<1x16xf32>,
        %get3A_163 = vector.shape_cast %get3A_162 : vector<1x16xf32> to vector<16xf32>
        %add3A_164 = arith.addf %get3A_159, %get3A_163 : vector<16xf32>
        %add3A_165 = arith.constant 0 : i32
        %add3A_166 = arith.addi %add3A_165, %scan3A_137 : i32
        %swap3A_167 = arith.index_cast %add3A_166 : i32 to index
        %swap3A_168 = arith.constant 16 : index
        %swap3A_169 = tpu.vector_load %arg8[%swap3A_167, %swap3A_168] {strides = array<i32>} : memref<400x64xf32, #tpu.memory_space<vmem>>, vector<1x16xf32>,
        %swap3A_170 = vector.shape_cast %swap3A_169 : vector<1x16xf32> to vector<16xf32>
        %swap3A_171 = vector.shape_cast %add3A_164 : vector<16xf32> to vector<1x16xf32>
        tpu.vector_store %arg8[%swap3A_167, %swap3A_168], %swap3A_171 {strides = array<i32>} : memref<400x64xf32, #tpu.memory_space<vmem>>, vector<1x16xf32>,
        %add3A_172 = arith.constant 0 : i32
        %add3A_173 = arith.addi %add3A_172, %scan3A_137 : i32
        %get3A_174 = arith.index_cast %add3A_173 : i32 to index
        %get3A_175 = arith.constant 32 : index
        %get3A_176 = tpu.vector_load %arg8[%get3A_174, %get3A_175] {strides = array<i32>} : memref<400x64xf32, #tpu.memory_space<vmem>>, vector<1x16xf32>,
        %get3A_177 = vector.shape_cast %get3A_176 : vector<1x16xf32> to vector<16xf32>
        %get3A_178 = arith.index_cast %scan3A_137 : i32 to index
        %get3A_179 = arith.constant 32 : index
        %get3A_180 = tpu.vector_load %arg6[%get3A_178, %get3A_179] {strides = array<i32>} : memref<200x64xf32, #tpu.memory_space<vmem>>, vector<1x16xf32>,
        %get3A_181 = vector.shape_cast %get3A_180 : vector<1x16xf32> to vector<16xf32>
        %add3A_182 = arith.addf %get3A_177, %get3A_181 : vector<16xf32>
        %add3A_183 = arith.constant 0 : i32
        %add3A_184 = arith.addi %add3A_183, %scan3A_137 : i32
        %swap3A_185 = arith.index_cast %add3A_184 : i32 to index
        %swap3A_186 = arith.constant 32 : index
        %swap3A_187 = tpu.vector_load %arg8[%swap3A_185, %swap3A_186] {strides = array<i32>} : memref<400x64xf32, #tpu.memory_space<vmem>>, vector<1x16xf32>,
        %swap3A_188 = vector.shape_cast %swap3A_187 : vector<1x16xf32> to vector<16xf32>
        %swap3A_189 = vector.shape_cast %add3A_182 : vector<16xf32> to vector<1x16xf32>
        tpu.vector_store %arg8[%swap3A_185, %swap3A_186], %swap3A_189 {strides = array<i32>} : memref<400x64xf32, #tpu.memory_space<vmem>>, vector<1x16xf32>,
        %add3A_190 = arith.constant 0 : i32
        %add3A_191 = arith.addi %add3A_190, %scan3A_137 : i32
        %get3A_192 = arith.index_cast %add3A_191 : i32 to index
        %get3A_193 = arith.constant 48 : index
        %get3A_194 = tpu.vector_load %arg8[%get3A_192, %get3A_193] {strides = array<i32>} : memref<400x64xf32, #tpu.memory_space<vmem>>, vector<1x16xf32>,
        %get3A_195 = vector.shape_cast %get3A_194 : vector<1x16xf32> to vector<16xf32>
        %get3A_196 = arith.index_cast %scan3A_137 : i32 to index
        %get3A_197 = arith.constant 48 : index
        %get3A_198 = tpu.vector_load %arg6[%get3A_196, %get3A_197] {strides = array<i32>} : memref<200x64xf32, #tpu.memory_space<vmem>>, vector<1x16xf32>,
        %get3A_199 = vector.shape_cast %get3A_198 : vector<1x16xf32> to vector<16xf32>
        %add3A_200 = arith.addf %get3A_195, %get3A_199 : vector<16xf32>
        %add3A_201 = arith.constant 0 : i32
        %add3A_202 = arith.addi %add3A_201, %scan3A_137 : i32
        %swap3A_203 = arith.index_cast %add3A_202 : i32 to index
        %swap3A_204 = arith.constant 48 : index
        %swap3A_205 = tpu.vector_load %arg8[%swap3A_203, %swap3A_204] {strides = array<i32>} : memref<400x64xf32, #tpu.memory_space<vmem>>, vector<1x16xf32>,
        %swap3A_206 = vector.shape_cast %swap3A_205 : vector<1x16xf32> to vector<16xf32>
        %swap3A_207 = vector.shape_cast %add3A_200 : vector<16xf32> to vector<1x16xf32>
        tpu.vector_store %arg8[%swap3A_203, %swap3A_204], %swap3A_207 {strides = array<i32>} : memref<400x64xf32, #tpu.memory_space<vmem>>, vector<1x16xf32>,
        %add3A_208 = arith.constant 200 : i32
        %add3A_209 = arith.addi %add3A_208, %scan3A_137 : i32
        %get3A_210 = arith.index_cast %add3A_209 : i32 to index
        %get3A_211 = arith.constant 0 : index
        %get3A_212 = tpu.vector_load %arg8[%get3A_210, %get3A_211] {strides = array<i32>} : memref<400x64xf32, #tpu.memory_space<vmem>>, vector<1x16xf32>,
        %get3A_213 = vector.shape_cast %get3A_212 : vector<1x16xf32> to vector<16xf32>
        %get3A_214 = arith.index_cast %scan3A_137 : i32 to index
        %get3A_215 = arith.constant 0 : index
        %get3A_216 = tpu.vector_load %arg6[%get3A_214, %get3A_215] {strides = array<i32>} : memref<200x64xf32, #tpu.memory_space<vmem>>, vector<1x16xf32>,
        %get3A_217 = vector.shape_cast %get3A_216 : vector<1x16xf32> to vector<16xf32>
        %add3A_218 = arith.addf %get3A_213, %get3A_217 : vector<16xf32>
        %add3A_219 = arith.constant 200 : i32
        %add3A_220 = arith.addi %add3A_219, %scan3A_137 : i32
        %swap3A_221 = arith.index_cast %add3A_220 : i32 to index
        %swap3A_222 = arith.constant 0 : index
        %swap3A_223 = tpu.vector_load %arg8[%swap3A_221, %swap3A_222] {strides = array<i32>} : memref<400x64xf32, #tpu.memory_space<vmem>>, vector<1x16xf32>,
        %swap3A_224 = vector.shape_cast %swap3A_223 : vector<1x16xf32> to vector<16xf32>
        %swap3A_225 = vector.shape_cast %add3A_218 : vector<16xf32> to vector<1x16xf32>
        tpu.vector_store %arg8[%swap3A_221, %swap3A_222], %swap3A_225 {strides = array<i32>} : memref<400x64xf32, #tpu.memory_space<vmem>>, vector<1x16xf32>,
        %add3A_226 = arith.constant 200 : i32
        %add3A_227 = arith.addi %add3A_226, %scan3A_137 : i32
        %get3A_228 = arith.index_cast %add3A_227 : i32 to index
        %get3A_229 = arith.constant 16 : index
        %get3A_230 = tpu.vector_load %arg8[%get3A_228, %get3A_229] {strides = array<i32>} : memref<400x64xf32, #tpu.memory_space<vmem>>, vector<1x16xf32>,
        %get3A_231 = vector.shape_cast %get3A_230 : vector<1x16xf32> to vector<16xf32>
        %get3A_232 = arith.index_cast %scan3A_137 : i32 to index
        %get3A_233 = arith.constant 16 : index
        %get3A_234 = tpu.vector_load %arg6[%get3A_232, %get3A_233] {strides = array<i32>} : memref<200x64xf32, #tpu.memory_space<vmem>>, vector<1x16xf32>,
        %get3A_235 = vector.shape_cast %get3A_234 : vector<1x16xf32> to vector<16xf32>
        %add3A_236 = arith.addf %get3A_231, %get3A_235 : vector<16xf32>
        %add3A_237 = arith.constant 200 : i32
        %add3A_238 = arith.addi %add3A_237, %scan3A_137 : i32
        %swap3A_239 = arith.index_cast %add3A_238 : i32 to index
        %swap3A_240 = arith.constant 16 : index
        %swap3A_241 = tpu.vector_load %arg8[%swap3A_239, %swap3A_240] {strides = array<i32>} : memref<400x64xf32, #tpu.memory_space<vmem>>, vector<1x16xf32>,
        %swap3A_242 = vector.shape_cast %swap3A_241 : vector<1x16xf32> to vector<16xf32>
        %swap3A_243 = vector.shape_cast %add3A_236 : vector<16xf32> to vector<1x16xf32>
        tpu.vector_store %arg8[%swap3A_239, %swap3A_240], %swap3A_243 {strides = array<i32>} : memref<400x64xf32, #tpu.memory_space<vmem>>, vector<1x16xf32>,
        %add3A_244 = arith.constant 200 : i32
        %add3A_245 = arith.addi %add3A_244, %scan3A_137 : i32
        %get3A_246 = arith.index_cast %add3A_245 : i32 to index
        %get3A_247 = arith.constant 32 : index
        %get3A_248 = tpu.vector_load %arg8[%get3A_246, %get3A_247] {strides = array<i32>} : memref<400x64xf32, #tpu.memory_space<vmem>>, vector<1x16xf32>,
        %get3A_249 = vector.shape_cast %get3A_248 : vector<1x16xf32> to vector<16xf32>
        %get3A_250 = arith.index_cast %scan3A_137 : i32 to index
        %get3A_251 = arith.constant 32 : index
        %get3A_252 = tpu.vector_load %arg6[%get3A_250, %get3A_251] {strides = array<i32>} : memref<200x64xf32, #tpu.memory_space<vmem>>, vector<1x16xf32>,
        %get3A_253 = vector.shape_cast %get3A_252 : vector<1x16xf32> to vector<16xf32>
        %add3A_254 = arith.addf %get3A_249, %get3A_253 : vector<16xf32>
        %add3A_255 = arith.constant 200 : i32
        %add3A_256 = arith.addi %add3A_255, %scan3A_137 : i32
        %swap3A_257 = arith.index_cast %add3A_256 : i32 to index
        %swap3A_258 = arith.constant 32 : index
        %swap3A_259 = tpu.vector_load %arg8[%swap3A_257, %swap3A_258] {strides = array<i32>} : memref<400x64xf32, #tpu.memory_space<vmem>>, vector<1x16xf32>,
        %swap3A_260 = vector.shape_cast %swap3A_259 : vector<1x16xf32> to vector<16xf32>
        %swap3A_261 = vector.shape_cast %add3A_254 : vector<16xf32> to vector<1x16xf32>
        tpu.vector_store %arg8[%swap3A_257, %swap3A_258], %swap3A_261 {strides = array<i32>} : memref<400x64xf32, #tpu.memory_space<vmem>>, vector<1x16xf32>,
        %add3A_262 = arith.constant 200 : i32
        %add3A_263 = arith.addi %add3A_262, %scan3A_137 : i32
        %get3A_264 = arith.index_cast %add3A_263 : i32 to index
        %get3A_265 = arith.constant 48 : index
        %get3A_266 = tpu.vector_load %arg8[%get3A_264, %get3A_265] {strides = array<i32>} : memref<400x64xf32, #tpu.memory_space<vmem>>, vector<1x16xf32>,
        %get3A_267 = vector.shape_cast %get3A_266 : vector<1x16xf32> to vector<16xf32>
        %get3A_268 = arith.index_cast %scan3A_137 : i32 to index
        %get3A_269 = arith.constant 48 : index
        %get3A_270 = tpu.vector_load %arg6[%get3A_268, %get3A_269] {strides = array<i32>} : memref<200x64xf32, #tpu.memory_space<vmem>>, vector<1x16xf32>,
        %get3A_271 = vector.shape_cast %get3A_270 : vector<1x16xf32> to vector<16xf32>
        %add3A_272 = arith.addf %get3A_267, %get3A_271 : vector<16xf32>
        %add3A_273 = arith.constant 200 : i32
        %add3A_274 = arith.addi %add3A_273, %scan3A_137 : i32
        %swap3A_275 = arith.index_cast %add3A_274 : i32 to index
        %swap3A_276 = arith.constant 48 : index
        %swap3A_277 = tpu.vector_load %arg8[%swap3A_275, %swap3A_276] {strides = array<i32>} : memref<400x64xf32, #tpu.memory_space<vmem>>, vector<1x16xf32>,
        %swap3A_278 = vector.shape_cast %swap3A_277 : vector<1x16xf32> to vector<16xf32>
        %swap3A_279 = vector.shape_cast %add3A_272 : vector<16xf32> to vector<1x16xf32>
        tpu.vector_store %arg8[%swap3A_275, %swap3A_276], %swap3A_279 {strides = array<i32>} : memref<400x64xf32, #tpu.memory_space<vmem>>, vector<1x16xf32>,
      }
      %scan3A_129 = arith.constant 200 : i32
      %mul3A_130 = arith.constant 400 : i32
      %mul3A_131 = arith.muli %add3A_101, %mul3A_130 : i32
      %add3A_132 = arith.addi %mul3A_2, %mul3A_131 : i32
      %dma_start3A_133 = arith.constant 0 : i32
      %dma_start3A_134 = tpu.memref_slice %arg5[%add3A_132, %dma_start3A_133] : memref<819200x64xf32, #tpu.memory_space<hbm>> -> memref<400x64xf32, #tpu.memory_space<hbm>>
      %dma_start3A_135 = arith.constant 0 : i32
      %dma_start3A_136 = tpu.memref_slice %arg5[%add3A_132, %dma_start3A_135] : memref<819200x64xf32, #tpu.memory_space<hbm>> -> memref<400x64xf32, #tpu.memory_space<hbm>>
      tpu.enqueue_dma source(%arg8 : memref<400x64xf32, #tpu.memory_space<vmem>>) target(%dma_start3A_136 : memref<400x64xf32, #tpu.memory_space<hbm>>) target_semaphore(%arg12 : memref<!tpu.dma_semaphore, #tpu.memory_space<semaphore_mem>>)
    }
    %scan3A_30 = arith.constant 31 : i32
    %dma_wait3A_31 = arith.constant 25200 : i32
    %dma_wait3A_32 = tpu.memref_slice %arg7[%dma_wait3A_31] : memref<25600xi32, #tpu.memory_space<vmem>> -> memref<400xi32, #tpu.memory_space<vmem>>
    %dma_wait3A_33 = arith.constant 0 : i32
    %dma_wait3A_34 = arith.constant 0 : i32
    %dma_wait3A_35 = tpu.memref_slice %arg3[%dma_wait3A_33, %dma_wait3A_34] : memref<1000000x64xf32, #tpu.memory_space<hbm>> -> memref<1000000x64xf32, #tpu.memory_space<hbm>>
    tpu.wait_indirect_dma semaphore(%arg11 : memref<!tpu.dma_semaphore, #tpu.memory_space<semaphore_mem>>) src(%dma_wait3A_35 : memref<1000000x64xf32, #tpu.memory_space<hbm>>) dst(%arg9 : memref<400x64xf32, #tpu.memory_space<vmem>>)
    %scan3A_36 = arith.constant 0 : i32
    %scan3A_37 = arith.constant 200 : i32
    %scan3A_38 = arith.addi %scan3A_36, %scan3A_37 : i32
    %scan3A_39 = arith.constant 1 : i32
    scf.for %scan3A_59 = %scan3A_36 to %scan3A_38 step %scan3A_39  : i32 {
      %add3A_60 = arith.constant 0 : i32
      %add3A_61 = arith.addi %add3A_60, %scan3A_59 : i32
      %get3A = arith.index_cast %add3A_61 : i32 to index
      %get3A_62 = arith.constant 0 : index
      %get3A_63 = tpu.vector_load %arg9[%get3A, %get3A_62] {strides = array<i32>} : memref<400x64xf32, #tpu.memory_space<vmem>>, vector<1x16xf32>,
      %get3A_64 = vector.shape_cast %get3A_63 : vector<1x16xf32> to vector<16xf32>
      %get3A_65 = arith.index_cast %scan3A_59 : i32 to index
      %get3A_66 = arith.constant 0 : index
      %get3A_67 = tpu.vector_load %arg6[%get3A_65, %get3A_66] {strides = array<i32>} : memref<200x64xf32, #tpu.memory_space<vmem>>, vector<1x16xf32>,
      %get3A_68 = vector.shape_cast %get3A_67 : vector<1x16xf32> to vector<16xf32>
      %add3A_69 = arith.addf %get3A_64, %get3A_68 : vector<16xf32>
      %add3A_70 = arith.constant 0 : i32
      %add3A_71 = arith.addi %add3A_70, %scan3A_59 : i32
      %swap3A = arith.index_cast %add3A_71 : i32 to index
      %swap3A_72 = arith.constant 0 : index
      %swap3A_73 = tpu.vector_load %arg9[%swap3A, %swap3A_72] {strides = array<i32>} : memref<400x64xf32, #tpu.memory_space<vmem>>, vector<1x16xf32>,
      %swap3A_74 = vector.shape_cast %swap3A_73 : vector<1x16xf32> to vector<16xf32>
      %swap3A_75 = vector.shape_cast %add3A_69 : vector<16xf32> to vector<1x16xf32>
      tpu.vector_store %arg9[%swap3A, %swap3A_72], %swap3A_75 {strides = array<i32>} : memref<400x64xf32, #tpu.memory_space<vmem>>, vector<1x16xf32>,
      %add3A_76 = arith.constant 0 : i32
      %add3A_77 = arith.addi %add3A_76, %scan3A_59 : i32
      %get3A_78 = arith.index_cast %add3A_77 : i32 to index
      %get3A_79 = arith.constant 16 : index
      %get3A_80 = tpu.vector_load %arg9[%get3A_78, %get3A_79] {strides = array<i32>} : memref<400x64xf32, #tpu.memory_space<vmem>>, vector<1x16xf32>,
      %get3A_81 = vector.shape_cast %get3A_80 : vector<1x16xf32> to vector<16xf32>
      %get3A_82 = arith.index_cast %scan3A_59 : i32 to index
      %get3A_83 = arith.constant 16 : index
      %get3A_84 = tpu.vector_load %arg6[%get3A_82, %get3A_83] {strides = array<i32>} : memref<200x64xf32, #tpu.memory_space<vmem>>, vector<1x16xf32>,
      %get3A_85 = vector.shape_cast %get3A_84 : vector<1x16xf32> to vector<16xf32>
      %add3A_86 = arith.addf %get3A_81, %get3A_85 : vector<16xf32>
      %add3A_87 = arith.constant 0 : i32
      %add3A_88 = arith.addi %add3A_87, %scan3A_59 : i32
      %swap3A_89 = arith.index_cast %add3A_88 : i32 to index
      %swap3A_90 = arith.constant 16 : index
      %swap3A_91 = tpu.vector_load %arg9[%swap3A_89, %swap3A_90] {strides = array<i32>} : memref<400x64xf32, #tpu.memory_space<vmem>>, vector<1x16xf32>,
      %swap3A_92 = vector.shape_cast %swap3A_91 : vector<1x16xf32> to vector<16xf32>
      %swap3A_93 = vector.shape_cast %add3A_86 : vector<16xf32> to vector<1x16xf32>
      tpu.vector_store %arg9[%swap3A_89, %swap3A_90], %swap3A_93 {strides = array<i32>} : memref<400x64xf32, #tpu.memory_space<vmem>>, vector<1x16xf32>,
      %add3A_94 = arith.constant 0 : i32
      %add3A_95 = arith.addi %add3A_94, %scan3A_59 : i32
      %get3A_96 = arith.index_cast %add3A_95 : i32 to index
      %get3A_97 = arith.constant 32 : index
      %get3A_98 = tpu.vector_load %arg9[%get3A_96, %get3A_97] {strides = array<i32>} : memref<400x64xf32, #tpu.memory_space<vmem>>, vector<1x16xf32>,
      %get3A_99 = vector.shape_cast %get3A_98 : vector<1x16xf32> to vector<16xf32>
      %get3A_100 = arith.index_cast %scan3A_59 : i32 to index
      %get3A_101 = arith.constant 32 : index
      %get3A_102 = tpu.vector_load %arg6[%get3A_100, %get3A_101] {strides = array<i32>} : memref<200x64xf32, #tpu.memory_space<vmem>>, vector<1x16xf32>,
      %get3A_103 = vector.shape_cast %get3A_102 : vector<1x16xf32> to vector<16xf32>
      %add3A_104 = arith.addf %get3A_99, %get3A_103 : vector<16xf32>
      %add3A_105 = arith.constant 0 : i32
      %add3A_106 = arith.addi %add3A_105, %scan3A_59 : i32
      %swap3A_107 = arith.index_cast %add3A_106 : i32 to index
      %swap3A_108 = arith.constant 32 : index
      %swap3A_109 = tpu.vector_load %arg9[%swap3A_107, %swap3A_108] {strides = array<i32>} : memref<400x64xf32, #tpu.memory_space<vmem>>, vector<1x16xf32>,
      %swap3A_110 = vector.shape_cast %swap3A_109 : vector<1x16xf32> to vector<16xf32>
      %swap3A_111 = vector.shape_cast %add3A_104 : vector<16xf32> to vector<1x16xf32>
      tpu.vector_store %arg9[%swap3A_107, %swap3A_108], %swap3A_111 {strides = array<i32>} : memref<400x64xf32, #tpu.memory_space<vmem>>, vector<1x16xf32>,
      %add3A_112 = arith.constant 0 : i32
      %add3A_113 = arith.addi %add3A_112, %scan3A_59 : i32
      %get3A_114 = arith.index_cast %add3A_113 : i32 to index
      %get3A_115 = arith.constant 48 : index
      %get3A_116 = tpu.vector_load %arg9[%get3A_114, %get3A_115] {strides = array<i32>} : memref<400x64xf32, #tpu.memory_space<vmem>>, vector<1x16xf32>,
      %get3A_117 = vector.shape_cast %get3A_116 : vector<1x16xf32> to vector<16xf32>
      %get3A_118 = arith.index_cast %scan3A_59 : i32 to index
      %get3A_119 = arith.constant 48 : index
      %get3A_120 = tpu.vector_load %arg6[%get3A_118, %get3A_119] {strides = array<i32>} : memref<200x64xf32, #tpu.memory_space<vmem>>, vector<1x16xf32>,
      %get3A_121 = vector.shape_cast %get3A_120 : vector<1x16xf32> to vector<16xf32>
      %add3A_122 = arith.addf %get3A_117, %get3A_121 : vector<16xf32>
      %add3A_123 = arith.constant 0 : i32
      %add3A_124 = arith.addi %add3A_123, %scan3A_59 : i32
      %swap3A_125 = arith.index_cast %add3A_124 : i32 to index
      %swap3A_126 = arith.constant 48 : index
      %swap3A_127 = tpu.vector_load %arg9[%swap3A_125, %swap3A_126] {strides = array<i32>} : memref<400x64xf32, #tpu.memory_space<vmem>>, vector<1x16xf32>,
      %swap3A_128 = vector.shape_cast %swap3A_127 : vector<1x16xf32> to vector<16xf32>
      %swap3A_129 = vector.shape_cast %add3A_122 : vector<16xf32> to vector<1x16xf32>
      tpu.vector_store %arg9[%swap3A_125, %swap3A_126], %swap3A_129 {strides = array<i32>} : memref<400x64xf32, #tpu.memory_space<vmem>>, vector<1x16xf32>,
      %add3A_130 = arith.constant 200 : i32
      %add3A_131 = arith.addi %add3A_130, %scan3A_59 : i32
      %get3A_132 = arith.index_cast %add3A_131 : i32 to index
      %get3A_133 = arith.constant 0 : index
      %get3A_134 = tpu.vector_load %arg9[%get3A_132, %get3A_133] {strides = array<i32>} : memref<400x64xf32, #tpu.memory_space<vmem>>, vector<1x16xf32>,
      %get3A_135 = vector.shape_cast %get3A_134 : vector<1x16xf32> to vector<16xf32>
      %get3A_136 = arith.index_cast %scan3A_59 : i32 to index
      %get3A_137 = arith.constant 0 : index
      %get3A_138 = tpu.vector_load %arg6[%get3A_136, %get3A_137] {strides = array<i32>} : memref<200x64xf32, #tpu.memory_space<vmem>>, vector<1x16xf32>,
      %get3A_139 = vector.shape_cast %get3A_138 : vector<1x16xf32> to vector<16xf32>
      %add3A_140 = arith.addf %get3A_135, %get3A_139 : vector<16xf32>
      %add3A_141 = arith.constant 200 : i32
      %add3A_142 = arith.addi %add3A_141, %scan3A_59 : i32
      %swap3A_143 = arith.index_cast %add3A_142 : i32 to index
      %swap3A_144 = arith.constant 0 : index
      %swap3A_145 = tpu.vector_load %arg9[%swap3A_143, %swap3A_144] {strides = array<i32>} : memref<400x64xf32, #tpu.memory_space<vmem>>, vector<1x16xf32>,
      %swap3A_146 = vector.shape_cast %swap3A_145 : vector<1x16xf32> to vector<16xf32>
      %swap3A_147 = vector.shape_cast %add3A_140 : vector<16xf32> to vector<1x16xf32>
      tpu.vector_store %arg9[%swap3A_143, %swap3A_144], %swap3A_147 {strides = array<i32>} : memref<400x64xf32, #tpu.memory_space<vmem>>, vector<1x16xf32>,
      %add3A_148 = arith.constant 200 : i32
      %add3A_149 = arith.addi %add3A_148, %scan3A_59 : i32
      %get3A_150 = arith.index_cast %add3A_149 : i32 to index
      %get3A_151 = arith.constant 16 : index
      %get3A_152 = tpu.vector_load %arg9[%get3A_150, %get3A_151] {strides = array<i32>} : memref<400x64xf32, #tpu.memory_space<vmem>>, vector<1x16xf32>,
      %get3A_153 = vector.shape_cast %get3A_152 : vector<1x16xf32> to vector<16xf32>
      %get3A_154 = arith.index_cast %scan3A_59 : i32 to index
      %get3A_155 = arith.constant 16 : index
      %get3A_156 = tpu.vector_load %arg6[%get3A_154, %get3A_155] {strides = array<i32>} : memref<200x64xf32, #tpu.memory_space<vmem>>, vector<1x16xf32>,
      %get3A_157 = vector.shape_cast %get3A_156 : vector<1x16xf32> to vector<16xf32>
      %add3A_158 = arith.addf %get3A_153, %get3A_157 : vector<16xf32>
      %add3A_159 = arith.constant 200 : i32
      %add3A_160 = arith.addi %add3A_159, %scan3A_59 : i32
      %swap3A_161 = arith.index_cast %add3A_160 : i32 to index
      %swap3A_162 = arith.constant 16 : index
      %swap3A_163 = tpu.vector_load %arg9[%swap3A_161, %swap3A_162] {strides = array<i32>} : memref<400x64xf32, #tpu.memory_space<vmem>>, vector<1x16xf32>,
      %swap3A_164 = vector.shape_cast %swap3A_163 : vector<1x16xf32> to vector<16xf32>
      %swap3A_165 = vector.shape_cast %add3A_158 : vector<16xf32> to vector<1x16xf32>
      tpu.vector_store %arg9[%swap3A_161, %swap3A_162], %swap3A_165 {strides = array<i32>} : memref<400x64xf32, #tpu.memory_space<vmem>>, vector<1x16xf32>,
      %add3A_166 = arith.constant 200 : i32
      %add3A_167 = arith.addi %add3A_166, %scan3A_59 : i32
      %get3A_168 = arith.index_cast %add3A_167 : i32 to index
      %get3A_169 = arith.constant 32 : index
      %get3A_170 = tpu.vector_load %arg9[%get3A_168, %get3A_169] {strides = array<i32>} : memref<400x64xf32, #tpu.memory_space<vmem>>, vector<1x16xf32>,
      %get3A_171 = vector.shape_cast %get3A_170 : vector<1x16xf32> to vector<16xf32>
      %get3A_172 = arith.index_cast %scan3A_59 : i32 to index
      %get3A_173 = arith.constant 32 : index
      %get3A_174 = tpu.vector_load %arg6[%get3A_172, %get3A_173] {strides = array<i32>} : memref<200x64xf32, #tpu.memory_space<vmem>>, vector<1x16xf32>,
      %get3A_175 = vector.shape_cast %get3A_174 : vector<1x16xf32> to vector<16xf32>
      %add3A_176 = arith.addf %get3A_171, %get3A_175 : vector<16xf32>
      %add3A_177 = arith.constant 200 : i32
      %add3A_178 = arith.addi %add3A_177, %scan3A_59 : i32
      %swap3A_179 = arith.index_cast %add3A_178 : i32 to index
      %swap3A_180 = arith.constant 32 : index
      %swap3A_181 = tpu.vector_load %arg9[%swap3A_179, %swap3A_180] {strides = array<i32>} : memref<400x64xf32, #tpu.memory_space<vmem>>, vector<1x16xf32>,
      %swap3A_182 = vector.shape_cast %swap3A_181 : vector<1x16xf32> to vector<16xf32>
      %swap3A_183 = vector.shape_cast %add3A_176 : vector<16xf32> to vector<1x16xf32>
      tpu.vector_store %arg9[%swap3A_179, %swap3A_180], %swap3A_183 {strides = array<i32>} : memref<400x64xf32, #tpu.memory_space<vmem>>, vector<1x16xf32>,
      %add3A_184 = arith.constant 200 : i32
      %add3A_185 = arith.addi %add3A_184, %scan3A_59 : i32
      %get3A_186 = arith.index_cast %add3A_185 : i32 to index
      %get3A_187 = arith.constant 48 : index
      %get3A_188 = tpu.vector_load %arg9[%get3A_186, %get3A_187] {strides = array<i32>} : memref<400x64xf32, #tpu.memory_space<vmem>>, vector<1x16xf32>,
      %get3A_189 = vector.shape_cast %get3A_188 : vector<1x16xf32> to vector<16xf32>
      %get3A_190 = arith.index_cast %scan3A_59 : i32 to index
      %get3A_191 = arith.constant 48 : index
      %get3A_192 = tpu.vector_load %arg6[%get3A_190, %get3A_191] {strides = array<i32>} : memref<200x64xf32, #tpu.memory_space<vmem>>, vector<1x16xf32>,
      %get3A_193 = vector.shape_cast %get3A_192 : vector<1x16xf32> to vector<16xf32>
      %add3A_194 = arith.addf %get3A_189, %get3A_193 : vector<16xf32>
      %add3A_195 = arith.constant 200 : i32
      %add3A_196 = arith.addi %add3A_195, %scan3A_59 : i32
      %swap3A_197 = arith.index_cast %add3A_196 : i32 to index
      %swap3A_198 = arith.constant 48 : index
      %swap3A_199 = tpu.vector_load %arg9[%swap3A_197, %swap3A_198] {strides = array<i32>} : memref<400x64xf32, #tpu.memory_space<vmem>>, vector<1x16xf32>,
      %swap3A_200 = vector.shape_cast %swap3A_199 : vector<1x16xf32> to vector<16xf32>
      %swap3A_201 = vector.shape_cast %add3A_194 : vector<16xf32> to vector<1x16xf32>
      tpu.vector_store %arg9[%swap3A_197, %swap3A_198], %swap3A_201 {strides = array<i32>} : memref<400x64xf32, #tpu.memory_space<vmem>>, vector<1x16xf32>,
    }
    %scan3A_40 = arith.constant 200 : i32
    %add3A_41 = arith.constant 25200 : i32
    %add3A_42 = arith.addi %mul3A_2, %add3A_41 : i32
    %dma_start3A_43 = arith.constant 0 : i32
    %dma_start3A_44 = tpu.memref_slice %arg5[%add3A_42, %dma_start3A_43] : memref<819200x64xf32, #tpu.memory_space<hbm>> -> memref<400x64xf32, #tpu.memory_space<hbm>>
    %dma_start3A_45 = arith.constant 0 : i32
    %dma_start3A_46 = tpu.memref_slice %arg5[%add3A_42, %dma_start3A_45] : memref<819200x64xf32, #tpu.memory_space<hbm>> -> memref<400x64xf32, #tpu.memory_space<hbm>>
    tpu.enqueue_dma source(%arg9 : memref<400x64xf32, #tpu.memory_space<vmem>>) target(%dma_start3A_46 : memref<400x64xf32, #tpu.memory_space<hbm>>) target_semaphore(%arg12 : memref<!tpu.dma_semaphore, #tpu.memory_space<semaphore_mem>>)
    %add3A_47 = arith.constant 24800 : i32
    %add3A_48 = arith.addi %mul3A_2, %add3A_47 : i32
    %dma_wait3A_49 = arith.constant 0 : i32
    %dma_wait3A_50 = tpu.memref_slice %arg5[%add3A_48, %dma_wait3A_49] : memref<819200x64xf32, #tpu.memory_space<hbm>> -> memref<400x64xf32, #tpu.memory_space<hbm>>
    %dma_wait3A_51 = arith.constant 0 : i32
    %dma_wait3A_52 = tpu.memref_slice %arg5[%add3A_48, %dma_wait3A_51] : memref<819200x64xf32, #tpu.memory_space<hbm>> -> memref<400x64xf32, #tpu.memory_space<hbm>>
    tpu.wait_dma2 semaphore(%arg12 : memref<!tpu.dma_semaphore, #tpu.memory_space<semaphore_mem>>) src(%arg8 : memref<400x64xf32, #tpu.memory_space<vmem>>) dst(%dma_wait3A_52 : memref<400x64xf32, #tpu.memory_space<hbm>>)
    %add3A_53 = arith.constant 25200 : i32
    %add3A_54 = arith.addi %mul3A_2, %add3A_53 : i32
    %dma_wait3A_55 = arith.constant 0 : i32
    %dma_wait3A_56 = tpu.memref_slice %arg5[%add3A_54, %dma_wait3A_55] : memref<819200x64xf32, #tpu.memory_space<hbm>> -> memref<400x64xf32, #tpu.memory_space<hbm>>
    %dma_wait3A_57 = arith.constant 0 : i32
    %dma_wait3A_58 = tpu.memref_slice %arg5[%add3A_54, %dma_wait3A_57] : memref<819200x64xf32, #tpu.memory_space<hbm>> -> memref<400x64xf32, #tpu.memory_space<hbm>>
    tpu.wait_dma2 semaphore(%arg12 : memref<!tpu.dma_semaphore, #tpu.memory_space<semaphore_mem>>) src(%arg9 : memref<400x64xf32, #tpu.memory_space<vmem>>) dst(%dma_wait3A_58 : memref<400x64xf32, #tpu.memory_space<hbm>>)
    return
  }
}

</mosaic_0001>

<sc_bundles>
// kernel: kernel.3.cloned.1.call-start
scs
__scs_entry_jumppad:
0x0: {  	(pc) =	sbr.rel $0x88, $3  }
0x1: {  	(tag) =	ssettag $0x0;
	lr =	simm.s32 $0x1  }
0x2: {  	[smem:$0x3F9E] =	sst lr;
	_ =	strace $0xD0000000  }
0x3: {  	_ = 	snop  }
0x4: {  	_ = 	snop  }
0x5: {  	_ = 	snop  }
0x6: {  	_ = 	snop  }
0x7: {  	_ = 	snop  }
__scs_overlays_trampoline_lowered:
0x8: {  	[smem:$0x3FAD] =	sst s0  }
0x9: {  	[smem:$0x3FAE] =	sst s1  }
0xa: {  	[smem:$0x3FAF] =	sst s2  }
0xb: {  	[smem:$0x3FB0] =	sst s3  }
0xc: {  	[smem:$0x3FB1] =	sst s4  }
0xd: {  	[smem:$0x3FB2] =	sst s5  }
0xe: {  	[smem:$0x3FB3] =	sst s6  }
0xf: {  	[smem:$0x3FB4] =	sst s7  }
0x10: {  	[smem:$0x3FB5] =	sst s8  }
0x11: {  	[smem:$0x3FB6] =	sst s9;
	s0 =	simm.s32 @!p0 $0x0  }
0x12: {  	s1 =	sld [smem:$0x3F9C];
	s0 =	simm.s32 @p0 $0x1  }
0x13: {  	[smem:$0x3FB7] =	sst s0;
	s0 =	simm.s32 @!p1 $0x0  }
0x14: {  	s2 =	sld [smem:$0x3F9B];
	s0 =	simm.s32 @p1 $0x1  }
0x15: {  	[smem:$0x3FB8] =	sst s0;
	s0 =	simm.s32 @!p2 $0x0  }
0x16: {  	s3 =	sld [smem:$0x3FDB];
	s0 =	simm.s32 @p2 $0x1  }
0x17: {  	s4 =	simm.s32 $0x1BF5;
	[smem:$0x3FBA] =	sst s0  }
0x18: {  	s0 =	sld [smem:$0x3F9D];
	_ =	swait.ge [sflag:s4], $0x0  }
0x19: {  	s7 =	sld [smem:$0x3F9E]  }
0x1a: {  	s8 =	sadd.s32 $0xFFFFE003, lr  }
0x1b: {  	s9 =	sadd.s32 $0xFFFFFEF7, lr;
	s5 =	simm.s32 $0xFFFFFFFF;
	p2 =	slt.u32 s8, $0xFFFFF086  }
0x1c: {  	p1 =	slt.u32 s9, $0xF7A;
	s5 =	simm.s32 @!p2 $0x0  }
0x1d: {  	s5 =	simm.s32 @p1 $0x1;
	p0 =	seq.s32 s7, s2  }
0x1e: {  	s7 =	smul.u32 @!p0 $0xF7A, s2;
	p2 =	seq.s32 @!p0 s5, $0x0  }
0x1f: {  	s9 =	smul.u32 $0xF7A, s1;
	s8 =	simm.s32 @!p0 $0x1BF5;
	p2 =	por !p2, p0  }
0x20: {  	[sflag:s8] =	ssyncset.s32 @!p0 $0xFFFFF086;
	s6 =	sadd.s32 @!p0 s3, s7;
	s7 =	simm.s32 @!p0 $0x108  }
0x21: {  	s3 =	sadd.s32 s3, s9;
	s6 =	sadd.s32 @!p0 $0x88, s6;
	s7 =	simm.s32 @p2 $0x1082  }
0x22: {  	[simem:s7], [sflag:s8] =	dma.local @!p0 [hbm:s6], $0xF7A  }
0x23: {  	s9 =	sor.u32 $0xD0000000, s2;
	s6 =	simm.s32 $0x108;
	_ =	swait.ge @!p0 [sflag:s8], $0x0  }
0x24: {  	s3 =	sadd.s32 $0x88, s3;
	s6 =	simm.s32 @!p1 $0x1082;
	[sflag:s4] =	ssyncset.s32 $0xFFFFF086  }
0x25: {  	[simem:s6], [sflag:s4] =	dma.local [hbm:s3], $0xF7A  }
0x26: {  	[smem:$0x3F9E] =	sst s1;
	(tag) =	ssettag s2;
	_ =	strace s9  }
0x27: {  	s1 =	sld [smem:$0x3FAE]  }
0x28: {  	s2 =	sld [smem:$0x3FAF]  }
0x29: {  	s4 =	sld [smem:$0x3FB1]  }
0x2a: {  	p0 =	seq.s32 s5, $0x0;
	s5 =	sld [smem:$0x3FB2]  }
0x2b: {  	s6 =	sld [smem:$0x3FB3]  }
0x2c: {  	s7 =	sld [smem:$0x3FB4]  }
0x2d: {  	s3 =	simm.s32 $0x108;
	s8 =	sld [smem:$0x3FB5]  }
0x2e: {  	s3 =	simm.s32 @!p0 $0x1082;
	s9 =	sld [smem:$0x3FB6]  }
0x2f: {  	lr =	sadd.s32 s0, s3;
	s0 =	sld [smem:$0x3FAD]  }
0x30: {  	s3 =	sld [smem:$0x3FB0]  }
0x31: {  	[smem:$0x3FB9] =	sst s10  }
0x32: {  	s10 =	sld [smem:$0x3FB7];
	_ =	sdelay $0x3  }
0x33: {  	p0 =	seq.s32 s10, $0x1;
	s10 =	sld [smem:$0x3FB9];
	_ =	sdelay $0x3  }
0x34: {  	[smem:$0x3FB9] =	sst s10  }
0x35: {  	s10 =	sld [smem:$0x3FB8];
	_ =	sdelay $0x3  }
0x36: {  	p1 =	seq.s32 s10, $0x1;
	s10 =	sld [smem:$0x3FB9];
	_ =	sdelay $0x3  }
0x37: {  	[smem:$0x3FB9] =	sst s10  }
0x38: {  	s10 =	sld [smem:$0x3FBA]  }
0x39: {  	_ = 	snop;
	(pc) =	sbr.ind lr, $3  }
0x3a: {  	_ = 	snop  }
0x3b: {  	_ = 	snop  }
0x3c: {  	p2 =	seq.s32 s10, $0x1;
	s10 =	sld [smem:$0x3FB9]  }
0x3d: {  	_ =	shalt  }
0x3e: {  	_ =	shalt  }
0x3f: {  	_ =	shalt  }
0x40: {  	_ =	shalt  }
0x41: {  	_ =	shalt  }
0x42: {  	_ =	shalt  }
0x43: {  	_ =	shalt  }
0x44: {  	_ =	shalt  }
0x45: {  	_ =	shalt  }
0x46: {  	_ =	shalt  }
0x47: {  	_ =	shalt  }
0x48: {  	_ =	shalt  }
0x49: {  	_ =	shalt  }
0x4a: {  	_ =	shalt  }
0x4b: {  	_ =	shalt  }
0x4c: {  	_ =	shalt  }
0x4d: {  	_ =	shalt  }
0x4e: {  	_ =	shalt  }
0x4f: {  	_ =	shalt  }
0x50: {  	_ =	shalt  }
0x51: {  	_ =	shalt  }
0x52: {  	_ =	shalt  }
0x53: {  	_ =	shalt  }
0x54: {  	_ =	shalt  }
0x55: {  	_ =	shalt  }
0x56: {  	_ =	shalt  }
0x57: {  	_ =	shalt  }
0x58: {  	_ =	shalt  }
0x59: {  	_ =	shalt  }
0x5a: {  	_ =	shalt  }
0x5b: {  	_ =	shalt  }
0x5c: {  	_ =	shalt  }
0x5d: {  	_ =	shalt  }
0x5e: {  	_ =	shalt  }
0x5f: {  	_ =	shalt  }
0x60: {  	_ =	shalt  }
0x61: {  	_ =	shalt  }
0x62: {  	_ =	shalt  }
0x63: {  	_ =	shalt  }
0x64: {  	_ =	shalt  }
0x65: {  	_ =	shalt  }
0x66: {  	_ =	shalt  }
0x67: {  	_ =	shalt  }
0x68: {  	_ =	shalt  }
0x69: {  	_ =	shalt  }
0x6a: {  	_ =	shalt  }
0x6b: {  	_ =	shalt  }
0x6c: {  	_ =	shalt  }
0x6d: {  	_ =	shalt  }
0x6e: {  	_ =	shalt  }
0x6f: {  	_ =	shalt  }
0x70: {  	_ =	shalt  }
0x71: {  	_ =	shalt  }
0x72: {  	_ =	shalt  }
0x73: {  	_ =	shalt  }
0x74: {  	_ =	shalt  }
0x75: {  	_ =	shalt  }
0x76: {  	_ =	shalt  }
0x77: {  	_ =	shalt  }
0x78: {  	_ =	shalt  }
0x79: {  	_ =	shalt  }
0x7a: {  	_ =	shalt  }
0x7b: {  	_ =	shalt  }
0x7c: {  	_ =	shalt  }
0x7d: {  	_ =	shalt  }
0x7e: {  	_ =	shalt  }
0x7f: {  	_ =	shalt  }
0x80: {  	_ =	shalt  }
0x81: {  	_ =	shalt  }
0x82: {  	_ =	shalt  }
0x83: {  	_ =	shalt  }
0x84: {  	_ =	shalt  }
0x85: {  	_ =	shalt  }
0x86: {  	_ =	shalt  }
0x87: {  	_ =	shalt  }
.Lfunc_end0:
.L_simem_size_0:
called_computation.1_lowered:
.L_overlay_start_0:
0x88: {  	s2 =	sld [smem:$0x3FD9]  }
0x89: {  	s3 =	sld [smem:$0x3FFE];
	_ =	sdelay $0x1  }
0x8a: {  	s1 =	srdreg.scid  }
0x8b: {  	s0 =	sand.u32 $0x1, s1  }
0x8c: {  	s17 =	sshll.u32 s0, $0xA;
	s2 =	sadd.s32 s3, s2  }
0x8d: {  	s2 =	sadd.s32 s2, s17  }
0x8e: {  	[smem:$0x3FC5] =	sst s2  }
0x8f: {  	_ = 	snop  }
0x90: {  	s2 =	sld [smem:$0x3FD0];
	(tm) =	ssettm $0x1  }
0x91: {  	s18 =	sld [smem:$0x3FFB];
	_ =	sdelay $0x3  }
0x92: {  	_ =	strace s18  }
0x93: {  	s3 =	sld [smem:$0x3FFC];
	_ =	sdelay $0x3  }
0x94: {  	_ =	strace s3  }
0x95: {  	s3 =	sld [smem:$0x3FFD];
	_ =	sdelay $0x3  }
0x96: {  	_ =	strace s3  }
0x97: {  	_ =	strace $0x8FFFFFFF  }
0x98: {  	s19 =	sld [smem:$0x3FDB];
	_ =	sdelay $0x1  }
0x99: {  	s4 =	simm.s32 $_scs_section_size  }
0x9a: {  	s5 =	simm.s32 $_size__tile_overlayer_lowered;
	s6 =	simm.s32 $_tile_overlayer_lowered  }
0x9b: {  	s22 =	simm.s32 $0x1BFF;
	s21 =	sshll.u32 s6, $0x1;
	s3 =	sadd.s32 s4, s19  }
0x9c: {  	s7 =	simm.s32 $0x0;
	s20 =	sshll.u32 s5, $0x1;
	s5 =	sadd.s32 s21, s3  }
0x9d: {  	[timem:s7], [sflag:s22] =	dma.local [hbm:s5], s20  }
0x9e: {  	_ =	swait.ge [sflag:s22], s20  }
0x9f: {  	s4 =	ssub.s32 $0x0, s20;
	[sflag:s22] =	ssyncset.done $0x0  }
0xa0: {  	[sflag:s22] =	ssyncadd.s32 s4;
	_ =	sdelay $0x1  }
0xa1: {  	s23 =	simm.s32 $0x1B8B  }
0xa2: {  	_ =	swait.ge [sflag:s23], $0x1  }
0xa3: {  	[sflag:s23] =	ssyncset.done $0x0  }
0xa4: {  	s25 =	simm.s32 $0x1B8E;
	s24 =	sld [smem:$0x3FFE];
	[sflag:s23] =	ssyncadd.s32 $0xFFFFFFFF  }
0xa5: {  	s26 =	simm.s32 $execute0_lowered;
	[smem:$0x3FD2] =	sst s25  }
0xa6: {  	s5 =	sshll.u32 s26, $0x1;
	_ =	strace $0x80000046;
	[dreg:$0x1] =	wrdreg $0xFFFFFFFF  }
0xa7: {  	s28 =	simm.s32 $_size_execute0_lowered;
	s3 =	sadd.s32 s3, s5;
	[dreg:$0x0] =	wrdreg $0x0  }
0xa8: {  	s5 =	sshll.u32 s28, $0x1;
	[dreg:$0x2] =	wrdreg s3  }
0xa9: {  	[dreg:$0x3] =	wrdreg s5  }
0xaa: {  	[dreg:$0x4] =	wrdreg $0xC0  }
0xab: {  	_ =	task [dreg:s7], $0x5FFFF  }
0xac: {  	[dreg:$0x1] =	wrdreg $0xFFFFFFFF  }
0xad: {  	[dreg:$0x0] =	wrdreg $0x60  }
0xae: {  	[dreg:$0x2] =	wrdreg s24  }
0xaf: {  	[dreg:$0x3] =	wrdreg s2  }
0xb0: {  	[dreg:$0x4] =	wrdreg $0x9  }
0xb1: {  	_ =	task.clear_ibuf [dreg:s7], $0x5FFFF;
	_ =	strace $0x90000046  }
0xb2: {  	s29 =	simm.s32 $0x9;
	_ =	strace $0x80000048  }
0xb3: {  	_ =	swait.ge [sflag:s29], $0x1  }
0xb4: {  	[sflag:s29] =	ssyncadd.s32 $0xFFFFFFFF  }
0xb5: {  	_ =	strace $0x90000048  }
0xb6: {  	_ =	sfence  }
0xb7: {  	s30 =	sld [smem:$0x0];
	_ =	sdelay $0x2  }
0xb8: {  	s31 =	sshll.u32 s1, $0xD;
	s1 =	sshrl.u32 s1, $0x2  }
0xb9: {  	s3 =	sand.u32 $0x4000, s31;
	s1 =	sadd.s32 s1, s30  }
0xba: {  	s0 =	sor.u32 s3, s0;
	s1 =	sshll.u32 s1, $0x11  }
0xbb: {  	s0 =	sor.u32 s1, s0  }
0xbc: {  	s0 =	sadd.s32 $0x8F2B, s0  }
0xbd: {  	[sflag:s0] =	ssyncadd.remote.s32 $0x1  }
0xbe: {  	_ =	sfence.sel $0xFFFF  }
0xbf: {  	[dreg:$0x0] =	wrdreg $0xFFFFFFFF;
	(pc) =	sbr.abs _section_cstart, $3  }
0xc0: {  	[dreg:$0x1] =	wrdreg $0xFFFFFFFF  }
0xc1: {  	_ =	task.clear_ibuf [dreg:s7], $0x2FFFF;
	_ =	strace $0x9FFFFFFF  }
0xc2: {  	(tm) =	ssettm $0x7FFFFFFF  }
0xc3: {  	_ =	shalt  }
tec
execute0_lowered:
.L_overlay_start_1:
0x0: {  	(tag) =	ssettag $0x1  }
0x1: {  	s1 =	srdreg.scid;
	s7 =	rddreg [dreg:$0x0]  }
0x2: {  	s0 =	stileid.u32;
	s2 =	rddreg [dreg:$0x1];
	s4 =	simm.s32 $0x0  }
0x3: {  	s13 =	simm.s32 $0x3200;
	s14 =	simm.s32 $0x190;
	s15 =	simm.s32 $0x9600  }
0x4: {  	s16 =	simm.s32 $0x3390;
	s17 =	simm.s32 $0xFA00;
	s18 =	simm.s32 $0x1  }
0x5: {  	s19 =	simm.s32 $0x3;
	s6 =	sand.u32 $0x1, s1;
	s29 =	sshll.u32 s0, $0x1  }
0x6: {  	s20 =	simm.s32 $0x2;
	s1 =	rddreg [dreg:$0x2];
	s8 =	sor.u32 s6, s29  }
0x7: {  	s21 =	simm.s32 $0x0;
	[smem:$0x7FF] =	sst s4;
	s3 =	smul.u32 $0x6400, s8  }
0x8: {  	_ =	strace $0x80000047;
	s10 =	ssub.s32 $0x2, s6;
	s11 =	smul.u32 $0x190000, s8  }
0x9: {  	s6 =	sadd.s32 $0x19C00, s7;
	s30 =	sshrl.u32 s10, $0x1;
	s8 =	smul.u32 $0x32000, s8  }
0xa: {  	s12 =	ssub.s32 s10, s30;
	s5 =	sshrl.u32 s3, $0x3;
	s31 =	sshrl.u32 s11, $0x3  }
0xb: {  	s8 =	sadd.s32 s2, s8;
	s11 =	smax.u32 s12, $0x1;
	s12 =	simm.s32 $0x4  }
0xc: {  	s9 =	sadd.s32 s5, s7;
	s5 =	sadd.s32 $0xF43000, s7;
	s10 =	sadd.s32 s2, s31  }
0xd: {  	s7 =	sadd.s32 $0xC00, s9;
	s9 =	sor.u32 $0x190, s3;
	s10 =	sadd.s32 $0x31380, s10  }
.LBB2_1:
0xe: {  	[tilespmem:s4], [sflag:$0x4] =	stream.linear.gather [hbm4b:s6+s4], $0x3200, $0x38;
	[tilespmem:$0x15E00] =	vst v63  }
0xf: {  	_ =	swait.ge [sflag:s12], $0x3200  }
0x10: {  	[sflag:s12] =	ssyncset.done $0x0  }
0x11: {  	[sflag:s12] =	ssyncadd.s32 $0xFFFFCE00  }
0x12: {  	[tilespmem:s13], [sflag:$0x4] =	stream.linear.gather [hbm4b:s7+s4], $0x6400, $0x38;
	[tilespmem:$0x15E00] =	vst v63  }
0x13: {  	_ =	swait.ge [sflag:s12], $0x6400  }
0x14: {  	[sflag:s12] =	ssyncset.done $0x0  }
0x15: {  	[sflag:s12] =	ssyncadd.s32 $0xFFFF9C00  }
0x16: {  	[tilespmem:s15], [sflag:$0x1] =	stream.indirect.gather [hbm4b:s5+s14], $0x40, s13, s14, $0xb8;
	[tilespmem:$0x15E00] =	vst v63  }
0x17: {  	_ = 	snop  }
0x18: {  	[tilespmem:s17], [sflag:$0x2] =	stream.indirect.gather [hbm4b:s5+s14], $0x40, s16, s14, $0xb8;
	[tilespmem:$0x15E00] =	vst v63  }
0x19: {  	_ =	swait.ge [sflag:s18], $0x6400  }
0x1a: {  	[sflag:s18] =	ssyncset.done $0x0  }
0x1b: {  	s22 =	simm.s32 $0x0;
	[sflag:s18] =	ssyncadd.s32 $0xFFFF9C00  }
0x1c: {  	v4 =	vld [tilespmem:s22+$0x0]  }
0x1d: {  	v2 =	vld [tilespmem:s22+$0x10]  }
0x1e: {  	v1 =	vld [tilespmem:s22+$0x20]  }
0x1f: {  	v3 =	vld [tilespmem:s22+$0x30]  }
0x20: {  	v0 =	vld [tilespmem:s22+$0x30]  }
0x21: {  	v6 =	vld [tilespmem:s22+$0x9600]  }
0x22: {  	v10 =	vld [tilespmem:s22+$0x9610]  }
0x23: {  	v9 =	vld [tilespmem:s22+$0x9620]  }
0x24: {  	v8 =	vld [tilespmem:s22+$0x9630]  }
0x25: {  	v7 =	vld [tilespmem:s22+$0xC800]  }
0x26: {  	v5 =	vld [tilespmem:s22+$0xC810];
	v11 =	vadd.f32 v4, v6  }
0x27: {  	s23 =	simm.s32 $0x100;
	v10 =	vadd.f32 v2, v10;
	v6 =	vld [tilespmem:s22+$0xC820]  }
.LBB2_2:
0x28: {  	s24 =	sshra.s32 s23, $0x2;
	p0 =	sne.s32 s23, $0xC700;
	[tilespmem:s22+$0x9600] =	vst v11;
	v9 =	vadd.f32 v1, v9;
	v11 =	vld [tilespmem:s22+$0xC830]  }
0x29: {  	v12 =	vld [tilespmem:s24+$0x0];
	[tilespmem:s22+$0x9610] =	vst v10;
	v3 =	vadd.f32 v3, v8  }
0x2a: {  	v8 =	vld [tilespmem:s24+$0x10];
	[tilespmem:s22+$0x9620] =	vst v9;
	v4 =	vadd.f32 v4, v7  }
0x2b: {  	v7 =	vld [tilespmem:s24+$0x20];
	[tilespmem:s22+$0x9630] =	vst v3;
	v2 =	vadd.f32 v2, v5  }
0x2c: {  	v3 =	vld [tilespmem:s24+$0x30];
	[tilespmem:s22+$0xC800] =	vst v4;
	v1 =	vadd.f32 v1, v6  }
0x2d: {  	[tilespmem:s22+$0xC810] =	vst v2;
	v9 =	vadd.f32 v0, v11;
	v0 =	vld [tilespmem:s24+$0x30]  }
0x2e: {  	v5 =	vld [tilespmem:s24+$0x9600];
	[tilespmem:s22+$0xC820] =	vst v1;
	v4 =	vmov v12  }
0x2f: {  	v6 =	vld [tilespmem:s24+$0x9610];
	[tilespmem:s22+$0xC830] =	vst v9;
	v2 =	vmov v8;
	s22 =	smov.u32 s24  }
.Ltmp0:
0x30: {  	v9 =	vld [tilespmem:s22+$0x9620];
	v1 =	vmov v7;
	(pc) =	sbr.rel @p0 .LBB2_2-.Ltmp0, $4  }
0x31: {  	v8 =	vld [tilespmem:s22+$0x9630]  }
0x32: {  	v7 =	vld [tilespmem:s22+$0xC800]  }
0x33: {  	v11 =	vadd.f32 v4, v5;
	v5 =	vld [tilespmem:s22+$0xC810]  }
0x34: {  	s23 =	sadd.s32 $0x100, s23;
	v10 =	vadd.f32 v2, v6;
	v6 =	vld [tilespmem:s22+$0xC820]  }
0x35: {  	[tilespmem:s22+$0x9600] =	vst v11;
	v9 =	vadd.f32 v1, v9;
	v62 =	vld [tilespmem:s22+$0xC830]  }
0x36: {  	[tilespmem:s22+$0x9610] =	vst v10;
	v3 =	vadd.f32 v3, v8  }
0x37: {  	[tilespmem:s22+$0x9620] =	vst v9;
	v4 =	vadd.f32 v4, v7  }
0x38: {  	[tilespmem:s22+$0x9630] =	vst v3;
	v2 =	vadd.f32 v2, v5  }
0x39: {  	[tilespmem:s22+$0xC800] =	vst v4;
	v63 =	vadd.f32 v1, v6  }
0x3a: {  	[tilespmem:s22+$0xC810] =	vst v2;
	v0 =	vadd.f32 v0, v62  }
0x3b: {  	[tilespmem:s22+$0xC820] =	vst v63  }
0x3c: {  	[tilespmem:s22+$0xC830] =	vst v0;
	s22 =	simm.s32 $0x0  }
0x3d: {  	[hbm4b:s8+s22] =	stream.linear.scatter [tilespmem:s15], [sflag:$0x3], $0x6400, $0x38;
	[tilespmem:$0x15E00] =	vst v63  }
.LBB2_4:
0x3e: {  	_ =	swait.ge [sflag:s19], $0x6400;
	s24 =	smul.u32 $0x320, s22  }
0x3f: {  	[sflag:s19] =	ssyncset.done $0x0  }
0x40: {  	[sflag:s19] =	ssyncadd.s32 $0xFFFF9C00;
	s23 =	sadd.s32 $0x3520, s24  }
0x41: {  	[tilespmem:s15], [sflag:$0x1] =	stream.indirect.gather [hbm4b:s5+s14], $0x40, s23, s14, $0xb8;
	[tilespmem:$0x15E00] =	vst v63  }
0x42: {  	_ =	swait.ge [sflag:s20], $0x6400  }
0x43: {  	[sflag:s20] =	ssyncset.done $0x0  }
0x44: {  	s25 =	simm.s32 $0x0;
	[sflag:s20] =	ssyncadd.s32 $0xFFFF9C00  }
0x45: {  	v4 =	vld [tilespmem:s25+$0x0]  }
0x46: {  	v2 =	vld [tilespmem:s25+$0x10]  }
0x47: {  	v1 =	vld [tilespmem:s25+$0x20]  }
0x48: {  	v3 =	vld [tilespmem:s25+$0x30]  }
0x49: {  	v0 =	vld [tilespmem:s25+$0x30]  }
0x4a: {  	v6 =	vld [tilespmem:s25+$0xFA00]  }
0x4b: {  	v10 =	vld [tilespmem:s25+$0xFA10]  }
0x4c: {  	v9 =	vld [tilespmem:s25+$0xFA20]  }
0x4d: {  	v8 =	vld [tilespmem:s25+$0xFA30]  }
0x4e: {  	v7 =	vld [tilespmem:s25+$0x12C00]  }
0x4f: {  	v5 =	vld [tilespmem:s25+$0x12C10];
	v11 =	vadd.f32 v4, v6  }
0x50: {  	s26 =	simm.s32 $0x100;
	s23 =	sadd.s32 $0x320, s24;
	v10 =	vadd.f32 v2, v10;
	v6 =	vld [tilespmem:s25+$0x12C20]  }
.LBB2_5:
0x51: {  	s28 =	sshra.s32 s26, $0x2;
	p0 =	sne.s32 s26, $0xC700;
	[tilespmem:s25+$0xFA00] =	vst v11;
	v9 =	vadd.f32 v1, v9;
	v11 =	vld [tilespmem:s25+$0x12C30]  }
0x52: {  	v12 =	vld [tilespmem:s28+$0x0];
	[tilespmem:s25+$0xFA10] =	vst v10;
	v3 =	vadd.f32 v3, v8  }
0x53: {  	v8 =	vld [tilespmem:s28+$0x10];
	[tilespmem:s25+$0xFA20] =	vst v9;
	v4 =	vadd.f32 v4, v7  }
0x54: {  	v7 =	vld [tilespmem:s28+$0x20];
	[tilespmem:s25+$0xFA30] =	vst v3;
	v2 =	vadd.f32 v2, v5  }
0x55: {  	v3 =	vld [tilespmem:s28+$0x30];
	[tilespmem:s25+$0x12C00] =	vst v4;
	v1 =	vadd.f32 v1, v6  }
0x56: {  	[tilespmem:s25+$0x12C10] =	vst v2;
	v9 =	vadd.f32 v0, v11;
	v0 =	vld [tilespmem:s28+$0x30]  }
0x57: {  	v5 =	vld [tilespmem:s28+$0xFA00];
	[tilespmem:s25+$0x12C20] =	vst v1;
	v4 =	vmov v12  }
0x58: {  	v6 =	vld [tilespmem:s28+$0xFA10];
	[tilespmem:s25+$0x12C30] =	vst v9;
	v2 =	vmov v8;
	s25 =	smov.u32 s28  }
.Ltmp1:
0x59: {  	v9 =	vld [tilespmem:s25+$0xFA20];
	v1 =	vmov v7;
	(pc) =	sbr.rel @p0 .LBB2_5-.Ltmp1, $4  }
0x5a: {  	v8 =	vld [tilespmem:s25+$0xFA30]  }
0x5b: {  	v7 =	vld [tilespmem:s25+$0x12C00]  }
0x5c: {  	v11 =	vadd.f32 v4, v5;
	v5 =	vld [tilespmem:s25+$0x12C10]  }
0x5d: {  	s26 =	sadd.s32 $0x100, s26;
	v10 =	vadd.f32 v2, v6;
	v6 =	vld [tilespmem:s25+$0x12C20]  }
0x5e: {  	[tilespmem:s25+$0xFA00] =	vst v11;
	v9 =	vadd.f32 v1, v9;
	v11 =	vld [tilespmem:s25+$0x12C30]  }
0x5f: {  	[tilespmem:s25+$0xFA10] =	vst v10;
	v3 =	vadd.f32 v3, v8  }
0x60: {  	[tilespmem:s25+$0xFA20] =	vst v9;
	v4 =	vadd.f32 v4, v7  }
0x61: {  	[tilespmem:s25+$0xFA30] =	vst v3;
	v2 =	vadd.f32 v2, v5  }
0x62: {  	s24 =	sadd.s32 s24, s9;
	[tilespmem:s25+$0x12C00] =	vst v4;
	v1 =	vadd.f32 v1, v6  }
0x63: {  	s24 =	sshll.u32 s24, $0x3;
	[tilespmem:s25+$0x12C10] =	vst v2;
	v0 =	vadd.f32 v0, v11  }
0x64: {  	s24 =	sand.u32 $0x1FFFFF80, s24;
	[tilespmem:s25+$0x12C20] =	vst v1  }
0x65: {  	s30 =	simm.s32 $0x0;
	s31 =	smul.u32 $0xC80, s22;
	s24 =	sadd.s32 s2, s24;
	[tilespmem:s25+$0x12C30] =	vst v0  }
0x66: {  	[hbm4b:s24+s30] =	stream.linear.scatter [tilespmem:s17], [sflag:$0x3], $0x6400, $0x38;
	[tilespmem:$0x15E00] =	vst v63  }
0x67: {  	_ =	swait.ge [sflag:s19], $0x6400  }
0x68: {  	s24 =	sshra.s32 s31, $0x2;
	[sflag:s19] =	ssyncset.done $0x0  }
0x69: {  	s24 =	sadd.s32 $0x36B0, s24;
	[sflag:s19] =	ssyncadd.s32 $0xFFFF9C00  }
0x6a: {  	[tilespmem:s17], [sflag:$0x2] =	stream.indirect.gather [hbm4b:s5+s14], $0x40, s24, s14, $0xb8;
	[tilespmem:$0x15E00] =	vst v63  }
0x6b: {  	_ =	swait.ge [sflag:s18], $0x6400  }
0x6c: {  	[sflag:s18] =	ssyncset.done $0x0  }
0x6d: {  	s24 =	simm.s32 $0x0;
	[sflag:s18] =	ssyncadd.s32 $0xFFFF9C00  }
0x6e: {  	v4 =	vld [tilespmem:s24+$0x0]  }
0x6f: {  	v2 =	vld [tilespmem:s24+$0x10]  }
0x70: {  	v1 =	vld [tilespmem:s24+$0x20]  }
0x71: {  	v3 =	vld [tilespmem:s24+$0x30]  }
0x72: {  	v0 =	vld [tilespmem:s24+$0x30]  }
0x73: {  	v6 =	vld [tilespmem:s24+$0x9600]  }
0x74: {  	v10 =	vld [tilespmem:s24+$0x9610]  }
0x75: {  	v9 =	vld [tilespmem:s24+$0x9620]  }
0x76: {  	v8 =	vld [tilespmem:s24+$0x9630]  }
0x77: {  	v7 =	vld [tilespmem:s24+$0xC800]  }
0x78: {  	v5 =	vld [tilespmem:s24+$0xC810];
	v11 =	vadd.f32 v4, v6  }
0x79: {  	s25 =	simm.s32 $0x100;
	v10 =	vadd.f32 v2, v10;
	v6 =	vld [tilespmem:s24+$0xC820]  }
.LBB2_7:
0x7a: {  	s26 =	sshra.s32 s25, $0x2;
	p0 =	sne.s32 s25, $0xC700;
	[tilespmem:s24+$0x9600] =	vst v11;
	v9 =	vadd.f32 v1, v9;
	v11 =	vld [tilespmem:s24+$0xC830]  }
0x7b: {  	v12 =	vld [tilespmem:s26+$0x0];
	[tilespmem:s24+$0x9610] =	vst v10;
	v3 =	vadd.f32 v3, v8  }
0x7c: {  	v8 =	vld [tilespmem:s26+$0x10];
	[tilespmem:s24+$0x9620] =	vst v9;
	v4 =	vadd.f32 v4, v7  }
0x7d: {  	v7 =	vld [tilespmem:s26+$0x20];
	[tilespmem:s24+$0x9630] =	vst v3;
	v2 =	vadd.f32 v2, v5  }
0x7e: {  	v3 =	vld [tilespmem:s26+$0x30];
	[tilespmem:s24+$0xC800] =	vst v4;
	v1 =	vadd.f32 v1, v6  }
0x7f: {  	[tilespmem:s24+$0xC810] =	vst v2;
	v9 =	vadd.f32 v0, v11;
	v0 =	vld [tilespmem:s26+$0x30]  }
0x80: {  	v5 =	vld [tilespmem:s26+$0x9600];
	[tilespmem:s24+$0xC820] =	vst v1;
	v4 =	vmov v12  }
0x81: {  	v6 =	vld [tilespmem:s26+$0x9610];
	[tilespmem:s24+$0xC830] =	vst v9;
	v2 =	vmov v8;
	s24 =	smov.u32 s26  }
.Ltmp2:
0x82: {  	v9 =	vld [tilespmem:s24+$0x9620];
	v1 =	vmov v7;
	(pc) =	sbr.rel @p0 .LBB2_7-.Ltmp2, $4  }
0x83: {  	v8 =	vld [tilespmem:s24+$0x9630]  }
0x84: {  	v7 =	vld [tilespmem:s24+$0xC800]  }
0x85: {  	v11 =	vadd.f32 v4, v5;
	v5 =	vld [tilespmem:s24+$0xC810]  }
0x86: {  	s25 =	sadd.s32 $0x100, s25;
	v10 =	vadd.f32 v2, v6;
	v6 =	vld [tilespmem:s24+$0xC820]  }
0x87: {  	[tilespmem:s24+$0x9600] =	vst v11;
	v9 =	vadd.f32 v1, v9;
	v62 =	vld [tilespmem:s24+$0xC830]  }
0x88: {  	[tilespmem:s24+$0x9610] =	vst v10;
	v3 =	vadd.f32 v3, v8  }
0x89: {  	s22 =	sadd.s32 $0x1, s22;
	[tilespmem:s24+$0x9620] =	vst v9;
	v4 =	vadd.f32 v4, v7  }
0x8a: {  	p0 =	sne.s32 s22, $0x1F;
	[tilespmem:s24+$0x9630] =	vst v3;
	v2 =	vadd.f32 v2, v5  }
.Ltmp3:
0x8b: {  	s23 =	sadd.s32 s3, s23;
	[tilespmem:s24+$0xC800] =	vst v4;
	v63 =	vadd.f32 v1, v6;
	(pc) =	sbr.rel @p0 .LBB2_4-.Ltmp3, $4  }
0x8c: {  	s23 =	sshll.u32 s23, $0x3;
	[tilespmem:s24+$0xC810] =	vst v2;
	v0 =	vadd.f32 v0, v62  }
0x8d: {  	s23 =	sand.u32 $0x1FFFFF00, s23;
	[tilespmem:s24+$0xC820] =	vst v63  }
0x8e: {  	s23 =	sadd.s32 s2, s23;
	[tilespmem:s24+$0xC830] =	vst v0  }
0x8f: {  	[hbm4b:s23+s4] =	stream.linear.scatter [tilespmem:s15], [sflag:$0x3], $0x6400, $0x38;
	[tilespmem:$0x15E00] =	vst v63  }
0x90: {  	_ =	swait.ge [sflag:s20], $0x6400  }
0x91: {  	[sflag:s20] =	ssyncset.done $0x0  }
0x92: {  	s22 =	simm.s32 $0x0;
	[sflag:s20] =	ssyncadd.s32 $0xFFFF9C00  }
0x93: {  	v4 =	vld [tilespmem:s22+$0x0]  }
0x94: {  	v2 =	vld [tilespmem:s22+$0x10]  }
0x95: {  	v1 =	vld [tilespmem:s22+$0x20]  }
0x96: {  	v3 =	vld [tilespmem:s22+$0x30]  }
0x97: {  	v0 =	vld [tilespmem:s22+$0x30]  }
0x98: {  	v6 =	vld [tilespmem:s22+$0xFA00]  }
0x99: {  	v10 =	vld [tilespmem:s22+$0xFA10]  }
0x9a: {  	v9 =	vld [tilespmem:s22+$0xFA20]  }
0x9b: {  	v8 =	vld [tilespmem:s22+$0xFA30]  }
0x9c: {  	v7 =	vld [tilespmem:s22+$0x12C00]  }
0x9d: {  	v5 =	vld [tilespmem:s22+$0x12C10];
	v11 =	vadd.f32 v4, v6  }
0x9e: {  	s23 =	simm.s32 $0x100;
	v10 =	vadd.f32 v2, v10;
	v6 =	vld [tilespmem:s22+$0x12C20]  }
.LBB2_10:
0x9f: {  	s24 =	sshra.s32 s23, $0x2;
	p0 =	sne.s32 s23, $0xC700;
	[tilespmem:s22+$0xFA00] =	vst v11;
	v9 =	vadd.f32 v1, v9;
	v11 =	vld [tilespmem:s22+$0x12C30]  }
0xa0: {  	v12 =	vld [tilespmem:s24+$0x0];
	[tilespmem:s22+$0xFA10] =	vst v10;
	v3 =	vadd.f32 v3, v8  }
0xa1: {  	v8 =	vld [tilespmem:s24+$0x10];
	[tilespmem:s22+$0xFA20] =	vst v9;
	v4 =	vadd.f32 v4, v7  }
0xa2: {  	v7 =	vld [tilespmem:s24+$0x20];
	[tilespmem:s22+$0xFA30] =	vst v3;
	v2 =	vadd.f32 v2, v5  }
0xa3: {  	v3 =	vld [tilespmem:s24+$0x30];
	[tilespmem:s22+$0x12C00] =	vst v4;
	v1 =	vadd.f32 v1, v6  }
0xa4: {  	[tilespmem:s22+$0x12C10] =	vst v2;
	v9 =	vadd.f32 v0, v11;
	v0 =	vld [tilespmem:s24+$0x30]  }
0xa5: {  	v5 =	vld [tilespmem:s24+$0xFA00];
	[tilespmem:s22+$0x12C20] =	vst v1;
	v4 =	vmov v12  }
0xa6: {  	v6 =	vld [tilespmem:s24+$0xFA10];
	[tilespmem:s22+$0x12C30] =	vst v9;
	v2 =	vmov v8;
	s22 =	smov.u32 s24  }
.Ltmp4:
0xa7: {  	v9 =	vld [tilespmem:s22+$0xFA20];
	v1 =	vmov v7;
	(pc) =	sbr.rel @p0 .LBB2_10-.Ltmp4, $4  }
0xa8: {  	v8 =	vld [tilespmem:s22+$0xFA30]  }
0xa9: {  	v7 =	vld [tilespmem:s22+$0x12C00]  }
0xaa: {  	v11 =	vadd.f32 v4, v5;
	v5 =	vld [tilespmem:s22+$0x12C10]  }
0xab: {  	s23 =	sadd.s32 $0x100, s23;
	v10 =	vadd.f32 v2, v6;
	v6 =	vld [tilespmem:s22+$0x12C20]  }
0xac: {  	[tilespmem:s22+$0xFA00] =	vst v11;
	v9 =	vadd.f32 v1, v9;
	v62 =	vld [tilespmem:s22+$0x12C30]  }
0xad: {  	[tilespmem:s22+$0xFA10] =	vst v10;
	v3 =	vadd.f32 v3, v8  }
0xae: {  	[tilespmem:s22+$0xFA20] =	vst v9;
	v4 =	vadd.f32 v4, v7  }
0xaf: {  	[tilespmem:s22+$0xFA30] =	vst v3;
	v2 =	vadd.f32 v2, v5  }
0xb0: {  	[tilespmem:s22+$0x12C00] =	vst v4;
	v63 =	vadd.f32 v1, v6  }
0xb1: {  	[tilespmem:s22+$0x12C10] =	vst v2;
	v0 =	vadd.f32 v0, v62  }
0xb2: {  	[tilespmem:s22+$0x12C20] =	vst v63  }
0xb3: {  	s21 =	sadd.s32 $0x1, s21;
	[tilespmem:s22+$0x12C30] =	vst v0  }
0xb4: {  	[hbm4b:s10+s4] =	stream.linear.scatter [tilespmem:s17], [sflag:$0x3], $0x6400, $0x38;
	[tilespmem:$0x15E00] =	vst v63  }
0xb5: {  	p0 =	sne.s32 s21, s11;
	_ =	swait.ge [sflag:s19], $0x6400  }
.Ltmp5:
0xb6: {  	[sflag:s19] =	ssyncset.done $0x0;
	(pc) =	sbr.rel @p0 .LBB2_1-.Ltmp5, $4  }
0xb7: {  	[sflag:s19] =	ssyncadd.s32 $0xFFFF9C00  }
0xb8: {  	_ =	swait.ge [sflag:s19], $0x6400  }
0xb9: {  	[sflag:s19] =	ssyncset.done $0x0  }
0xba: {  	[sflag:s19] =	ssyncadd.s32 $0xFFFF9C00  }
0xbb: {  	_ =	sfence.sel $0x180000  }
0xbc: {  	[bflag:$0x0] =	sbarrier.arrive $0xFFFF  }
0xbd: {  	p0 =	sne.s32 s0, $0x0;
	_ =	strace $0x90000047  }
0xbe: {  	s0 =	sadd.s32 @!p0 $0x100000, s1;
	[bflag:$0x2] =	sbarrier.arrive $0xFFFF  }
0xbf: {  	[sflag:s0] =	ssyncadd.tile.s32 @!p0 $0x1;
	_ =	shalt  }
.Lfunc_end2:
_tile_overlayer_lowered:
.L_overlay_start_2:
0xc0: {  	(tag) =	ssettag $0x2  }
0xc1: {  	s0 =	rddreg [dreg:$0x0];
	s2 =	stileid.u32  }
0xc2: {  	s1 =	rddreg [dreg:$0x1];
	p0 =	sne.s32 s2, $0x0  }
0xc3: {  	s3 =	rddreg [dreg:$0x2];
	[bflag:$0x3] =	sbarrier.arrive $0xFFFF;
	s2 =	simm.s32 @!p0 $0x1C04  }
0xc4: {  	[timem:s3], [sflag:s2] =	dma.local @!p0 [hbm:s0], s1  }
0xc5: {  	s0 =	simm.s32 @!p0 $0x4  }
0xc6: {  	_ =	swait.ge @!p0 [sflag:s0], s1  }
0xc7: {  	s1 =	ssub.s32 @!p0 $0x0, s1;
	[sflag:s0] =	ssyncset.done @!p0 $0x0  }
0xc8: {  	[sflag:s0] =	ssyncadd.s32 @!p0 s1  }
0xc9: {  	[bflag:$0x3] =	sbarrier.arrive $0xFFFF  }
0xca: {  	_ =	shalt  }

// kernel: sparse-core-data-format-call.cloned.1.call-start
scs
called_computation_lowered:
.L_overlay_start_0:
0x0: {  	s2 =	sld [smem:$0x3FD9]  }
0x1: {  	s3 =	sld [smem:$0x3FFE];
	_ =	sdelay $0x1  }
0x2: {  	s1 =	srdreg.scid  }
0x3: {  	s0 =	sand.u32 $0x1, s1  }
0x4: {  	s18 =	sshll.u32 s0, $0xA;
	s2 =	sadd.s32 s3, s2  }
0x5: {  	s2 =	sadd.s32 s2, s18  }
0x6: {  	[smem:$0x3FC5] =	sst s2  }
0x7: {  	_ = 	snop  }
0x8: {  	s2 =	sld [smem:$0x3FD0];
	(tm) =	ssettm $0x1  }
0x9: {  	s19 =	sld [smem:$0x3FFB];
	_ =	sdelay $0x3  }
0xa: {  	_ =	strace s19  }
0xb: {  	s3 =	sld [smem:$0x3FFC];
	_ =	sdelay $0x3  }
0xc: {  	_ =	strace s3  }
0xd: {  	s3 =	sld [smem:$0x3FFD];
	_ =	sdelay $0x3  }
0xe: {  	_ =	strace s3  }
0xf: {  	_ =	strace $0x8FFFFFFF  }
0x10: {  	s20 =	sld [smem:$0x3FDB];
	_ =	sdelay $0x1  }
0x11: {  	s4 =	simm.s32 $_scs_section_size  }
0x12: {  	s5 =	simm.s32 $_size__tile_overlayer_lowered;
	s6 =	simm.s32 $_tile_overlayer_lowered  }
0x13: {  	s23 =	simm.s32 $0x1BFF;
	s22 =	sshll.u32 s6, $0x1;
	s3 =	sadd.s32 s4, s20  }
0x14: {  	s7 =	simm.s32 $0x0;
	s21 =	sshll.u32 s5, $0x1;
	s5 =	sadd.s32 s22, s3  }
0x15: {  	[timem:s7], [sflag:s23] =	dma.local [hbm:s5], s21  }
0x16: {  	_ =	swait.ge [sflag:s23], s21  }
0x17: {  	s4 =	ssub.s32 $0x0, s21;
	[sflag:s23] =	ssyncset.done $0x0  }
0x18: {  	[sflag:s23] =	ssyncadd.s32 s4;
	_ =	sdelay $0x1  }
0x19: {  	s24 =	simm.s32 $0x1B8B  }
0x1a: {  	_ =	swait.ge [sflag:s24], $0x1  }
0x1b: {  	[sflag:s24] =	ssyncset.done $0x0  }
0x1c: {  	s26 =	simm.s32 $0x1B8E;
	s25 =	sld [smem:$0x3FFE];
	[sflag:s24] =	ssyncadd.s32 $0xFFFFFFFF  }
0x1d: {  	s27 =	simm.s32 $execute0_lowered;
	[smem:$0x3FD2] =	sst s26  }
0x1e: {  	s5 =	sshll.u32 s27, $0x1;
	_ =	strace $0x80000049;
	[dreg:$0x1] =	wrdreg $0xFFFFFFFF  }
0x1f: {  	s28 =	simm.s32 $_size_execute0_lowered;
	s3 =	sadd.s32 s3, s5;
	[dreg:$0x0] =	wrdreg $0x0  }
0x20: {  	s5 =	sshll.u32 s28, $0x1;
	[dreg:$0x2] =	wrdreg s3  }
0x21: {  	[dreg:$0x3] =	wrdreg s5  }
0x22: {  	[dreg:$0x4] =	wrdreg $0xC0  }
0x23: {  	_ =	task [dreg:s7], $0x5FFFF  }
0x24: {  	[dreg:$0x1] =	wrdreg $0xFFFFFFFF  }
0x25: {  	[dreg:$0x0] =	wrdreg $0x60  }
0x26: {  	[dreg:$0x2] =	wrdreg s25  }
0x27: {  	[dreg:$0x3] =	wrdreg s2  }
0x28: {  	[dreg:$0x4] =	wrdreg $0x9  }
0x29: {  	_ =	task.clear_ibuf [dreg:s7], $0x5FFFF;
	_ =	strace $0x90000049  }
0x2a: {  	s29 =	simm.s32 $0x9;
	_ =	strace $0x8000004B  }
0x2b: {  	_ =	swait.ge [sflag:s29], $0x1  }
0x2c: {  	[sflag:s29] =	ssyncadd.s32 $0xFFFFFFFF  }
0x2d: {  	_ =	strace $0x9000004B  }
0x2e: {  	_ =	sfence  }
0x2f: {  	s30 =	sld [smem:$0x0];
	_ =	sdelay $0x2  }
0x30: {  	s31 =	sshll.u32 s1, $0xD;
	s1 =	sshrl.u32 s1, $0x2  }
0x31: {  	s3 =	sand.u32 $0x4000, s31;
	s1 =	sadd.s32 s1, s30  }
0x32: {  	s0 =	sor.u32 s3, s0;
	s1 =	sshll.u32 s1, $0x11  }
0x33: {  	s0 =	sor.u32 s1, s0  }
0x34: {  	s0 =	sadd.s32 $0x8F2B, s0  }
0x35: {  	[sflag:s0] =	ssyncadd.remote.s32 $0x1  }
0x36: {  	_ =	sfence.sel $0xFFFF  }
0x37: {  	[dreg:$0x0] =	wrdreg $0xFFFFFFFF;
	(pc) =	sbr.abs _section_cstart, $3  }
0x38: {  	[dreg:$0x1] =	wrdreg $0xFFFFFFFF  }
0x39: {  	_ =	task.clear_ibuf [dreg:s7], $0x2FFFF;
	_ =	strace $0x9FFFFFFF  }
0x3a: {  	(tm) =	ssettm $0x7FFFFFFF  }
0x3b: {  	_ =	shalt  }
tec
execute0_lowered:
.L_overlay_start_1:
0x0: {  	(tag) =	ssettag $0x1  }
0x1: {  	s0 =	srdreg.scid  }
0x2: {  	s1 =	sshll.u32 s0, $0x4  }
0x3: {  	s0 =	stileid.u32;
	s1 =	sand.u32 $0x10, s1  }
0x4: {  	s1 =	sor.u32 s0, s1  }
0x5: {  	s6 =	rddreg [dreg:$0x0];
	s4 =	simm.s32 $0x1;
	s2 =	sshll.u32 s1, $0x7  }
0x6: {  	s7 =	simm.s32 $0x2;
	s12 =	simm.s32 $0x0;
	s1 =	ssub.s32 $0x1000, s2  }
0x7: {  	s8 =	simm.s32 $0x8000;
	s13 =	simm.s32 $0x0;
	s3 =	sand.u32 $0xF80, s1  }
0x8: {  	s9 =	simm.s32 $0x0;
	s5 =	sshrl.u32 s1, $0xC;
	p0 =	sne.s32 s3, $0x0  }
.Ltmp0:
0x9: {  	s1 =	rddreg [dreg:$0x2];
	s4 =	simm.s32 @!p0 $0x0;
	(pc) =	sbr.rel .LBB1_1-.Ltmp0, $4  }
0xa: {  	s11 =	simm.s32 $0x0;
	s3 =	rddreg [dreg:$0x1];
	s5 =	sadd.s32 s4, s5  }
0xb: {  	_ =	strace $0x8000004A;
	s4 =	simm.s32 $0x1;
	s5 =	smul.u32 $0xC8, s5  }
0xc: {  	s6 =	sadd.s32 $0xC00, s6;
	s10 =	smov.u32 s2;
	[sflag:s4] =	ssyncpa.u1 $0x0  }
0xd: {  	p0 =	por $0x0, $0x0;
	[sflag:s7] =	ssyncpa.u1 $0x0;
	s7 =	sor.u32 $0x1, s5  }
.LBB1_4:
0xe: {  	s16 =	sshll.u32 s13, $0x3;
	s17 =	sand.u32 $0x78, s13  }
0xf: {  	s30 =	sand.u32 $0x7E00, s13;
	s12 =	sshll.u32 s12, $0xF;
	s16 =	sand.u32 $0xC00, s16  }
0x10: {  	[tilespmem:s15+$0x810 ss:$0x81] =	vst.msk $0xffff, v2;
	s31 =	sand.u32 $0x7, s13;
	s16 =	sor.u32 s17, s16;
	s17 =	sadd.s32 s3, s30  }
0x11: {  	[tilespmem:s15+$0x1020 ss:$0x81] =	vst.msk $0xffff, v0;
	s13 =	sshll.u32 s31, $0x12;
	s12 =	sadd.s32 s12, s17;
	s16 =	sshrl.u32 s16, $0x3  }
0x12: {  	[tilespmem:s15+$0x0 ss:$0x81] =	vst.msk $0xffff, v1;
	s13 =	sor.u32 $0x400, s13;
	s12 =	sadd.s32 s16, s12  }
0x13: {  	[hbm4b:s12+s13] =	stream.strided.scatter [tilespmem:s14], [sflag:$0x2], $0x2000, s8, s13, $0x20;
	[tilespmem:$0x8080] =	vst v63  }
.LBB1_5:
0x14: {  	s14 =	sadd.s32 $0x1, s9  }
0x15: {  	s12 =	sadd.s32 $0x1000, s10;
	s16 =	smov.u32 s10;
	p2 =	sgt.s32 s14, $0xC7  }
0x16: {  	s16 =	smov.u32 @p2 s12  }
0x17: {  	s14 =	simm.s32 @p2 $0x0;
	p2 =	sgt.s32 s16, $0xFFF  }
0x18: {  	s16 =	smov.u32 @p2 s2;
	p2 =	sne.s32 s11, s7  }
.Ltmp1:
0x19: {  	p1 =	slt.u32 s11, $0x2;
	(pc) =	sbr.rel @!p2 .LBB1_6-.Ltmp1, $4  }
0x1a: {  	s15 =	simm.s32 @!p1 $0x2  }
0x1b: {  	s13 =	smov.u32 s10;
	p0 =	por !p0, !p0;
	_ =	swait.ge @!p1 [sflag:s15], $0x2000  }
0x1c: {  	s12 =	smov.u32 s9;
	[sflag:s15] =	ssyncset.done @!p1 $0x0;
	s9 =	smov.u32 s14  }
0x1d: {  	s11 =	sadd.s32 $0x1, s11;
	[sflag:s15] =	ssyncadd.s32 @!p1 $0xFFFFE000;
	s10 =	smov.u32 s16  }
.LBB1_1:
0x1e: {  	p1 =	sge.u32 s11, s5  }
0x1f: {  	s14 =	sand.u32 @!p1 $0x1FFFFFF, s9  }
0x20: {  	s15 =	smulhi.u32 @!p1 $0x147AE15, s14;
	_ =	sdelay $0x1  }
0x21: {  	s15 =	smul.u32 @!p1 $0xC8, s15  }
0x22: {  	s16 =	sxor.u32 @!p1 $0xFFFFFFFF, s11;
	s17 =	smul.u32 @!p1 $0xC80, s10  }
0x23: {  	s31 =	sadd.s32 $0xFFFFFFFF, s11;
	s16 =	sshll.u32 @!p1 s16, $0xD;
	s14 =	ssub.s32 @!p1 s14, s15  }
0x24: {  	s15 =	sand.u32 @!p1 $0x2000, s16;
	s16 =	sadd.s32 @!p1 s6, s17;
	s14 =	sshll.u32 @!p1 s14, $0x4  }
0x25: {  	s17 =	simm.s32 @!p1 $0x6400;
	s14 =	sadd.s32 @!p1 s14, s16;
	s16 =	simm.s32 @!p1 $0x40  }
0x26: {  	[tilespmem:s15], [sflag:$0x1] =	stream.strided.gather @!p1 [hbm4b:s14+s16], $0x2000, s17, s16, $0x38;
	[tilespmem:$0x8080] =	vst v63  }
0x27: {  	p1 =	sge.u32 s31, s5  }
.Ltmp2:
0x28: {  	_ = 	snop;
	(pc) =	sbr.rel @p1 .LBB1_5-.Ltmp2, $1  }
0x29: {  	_ =	sdelay $0x3  }
0x2a: {  	s14 =	simm.s32 $0x1  }
0x2b: {  	_ =	swait.ge [sflag:s4], $0x2000;
	s14 =	simm.s32 @!p0 $0x0  }
0x2c: {  	[sflag:s4] =	ssyncset.done $0x0;
	s15 =	sshll.u32 s14, $0xD  }
0x2d: {  	[sflag:s4] =	ssyncadd.s32 $0xFFFFE000;
	s18 =	sor.u32 $0x20, s15  }
0x2e: {  	s14 =	smul.u32 $0x8100, s14;
	v3 =	vld [tilespmem:s18+$0x10]  }
0x2f: {  	s30 =	sand.u32 $0x1, s11;
	v2 =	vld [tilespmem:s18+$0xFFFFFFF0]  }
0x30: {  	s15 =	smul.u32 $0x8100, s30;
	s14 =	sshrl.u32 s14, $0x2;
	v0 =	vld [tilespmem:s18+$0x0]  }
0x31: {  	v1 =	vld [tilespmem:s18+$0xFFFFFFE0];
	s16 =	sor.u32 $0x4000, s14  }
0x32: {  	s31 =	sshrl.u32 s15, $0x2;
	s15 =	sadd.s32 $0x0, s16  }
0x33: {  	s17 =	simm.s32 $0x4;
	s18 =	sadd.s32 $0x40, s18;
	s14 =	sor.u32 $0x4000, s31;
	[tilespmem:s15+$0x1830 ss:$0x81] =	vst.msk $0xffff, v3  }
.LBB1_3:
0x34: {  	v3 =	vld [tilespmem:s18+$0x10];
	p1 =	sne.s32 s17, $0x1FC;
	[tilespmem:s15+$0x810 ss:$0x81] =	vst.msk $0xffff, v2;
	s19 =	smov.u32 s17;
	s17 =	sadd.s32 $0x4, s17  }
.Ltmp3:
0x35: {  	v2 =	vld [tilespmem:s18+$0xFFFFFFF0];
	[tilespmem:s15+$0x1020 ss:$0x81] =	vst.msk $0xffff, v0;
	(pc) =	sbr.rel @p1 .LBB1_3-.Ltmp3, $4  }
0x36: {  	v0 =	vld [tilespmem:s18+$0x0];
	[tilespmem:s15+$0x0 ss:$0x81] =	vst.msk $0xffff, v1  }
0x37: {  	s15 =	sshra.s32 s19, $0x2;
	v1 =	vld [tilespmem:s18+$0xFFFFFFE0]  }
0x38: {  	s15 =	sadd.s32 s15, s16  }
0x39: {  	s18 =	sadd.s32 $0x40, s18;
	[tilespmem:s15+$0x1830 ss:$0x81] =	vst.msk $0xffff, v3  }
.Ltmp4:
0x3a: {  	_ = 	snop;
	(pc) =	sbr.rel .LBB1_4-.Ltmp4, $1  }
0x3b: {  	_ =	sdelay $0x3  }
.LBB1_6:
0x3c: {  	_ =	sfence.sel $0x180000  }
0x3d: {  	s2 =	simm.s32 $0x1;
	[bflag:$0x0] =	sbarrier.arrive $0xFFFF  }
0x3e: {  	s31 =	simm.s32 $0x2;
	[sflag:s2] =	ssyncpa.u1 $0x1  }
0x3f: {  	[sflag:s31] =	ssyncpa.u1 $0x1  }
0x40: {  	p0 =	sne.s32 s0, $0x0;
	_ =	strace $0x9000004A  }
0x41: {  	s0 =	sadd.s32 @!p0 $0x100000, s1;
	[bflag:$0x2] =	sbarrier.arrive $0xFFFF  }
0x42: {  	[sflag:s0] =	ssyncadd.tile.s32 @!p0 $0x1;
	_ =	shalt  }
.Lfunc_end1:
_tile_overlayer_lowered:
.L_overlay_start_2:
0x43: {  	(tag) =	ssettag $0x2  }
0x44: {  	s0 =	rddreg [dreg:$0x0];
	s2 =	stileid.u32  }
0x45: {  	s1 =	rddreg [dreg:$0x1];
	p0 =	sne.s32 s2, $0x0  }
0x46: {  	s3 =	rddreg [dreg:$0x2];
	[bflag:$0x3] =	sbarrier.arrive $0xFFFF;
	s2 =	simm.s32 @!p0 $0x1C01  }
0x47: {  	[timem:s3], [sflag:s2] =	dma.local @!p0 [hbm:s0], s1  }
0x48: {  	s0 =	simm.s32 @!p0 $0x1  }
0x49: {  	_ =	swait.ge @!p0 [sflag:s0], s1  }
0x4a: {  	s1 =	ssub.s32 @!p0 $0x0, s1;
	[sflag:s0] =	ssyncset.done @!p0 $0x0  }
0x4b: {  	[sflag:s0] =	ssyncadd.s32 @!p0 s1  }
0x4c: {  	[bflag:$0x3] =	sbarrier.arrive $0xFFFF  }
0x4d: {  	_ =	shalt  }

</sc_bundles>
